<compile_context>
chip_gen: v7x
topology: tpu7x:2x2x1
jax: 0.10.2.dev20260603
libtpu: 0.0.44.dev20260713+nightly
codegen_flags: <defaults>
</compile_context>

<pallas_src>
import functools

import numpy as np

import jax
import jax.numpy as jnp
from jax import lax
from jax.experimental import pallas as pl
from jax.experimental.pallas import tpu as pltpu
from jax.experimental.pallas import tpu_sc as plsc

NT = 65536
Q = 2
C = 1024
D = 512
H = 128
A = 7

NC = 2
NS = 16
NW = NC * NS
TOK_PER_W = NT // NW
CH = 128
NCHUNK = TOK_PER_W // CH
IDX_ROWS = (2 * NT) // 128
G = (2 * CH) // 128
HW = H // 2
_PERM = np.concatenate([
    np.concatenate([np.arange(32 * d, 32 * d + 32, 2),
                    np.arange(32 * d + 1, 32 * d + 32, 2)])
    for d in range(H // 32)
])


def _proj_body(cb_ref, w1_ref, out_ref):
    out_ref[...] = jnp.dot(cb_ref[...], w1_ref[...],
                           preferred_element_type=jnp.float32
                           ).astype(jnp.bfloat16)


def _project(cb2, w1):
    return pl.pallas_call(
        _proj_body,
        out_shape=jax.ShapeDtypeStruct((Q * C, H), jnp.bfloat16),
    )(cb2, w1)


_IDX_ROWS_W = (2 * TOK_PER_W) // 128


def _gather_sum_body(idx_hbm, pb_hbm, out_hbm, idx_v, rows_v, acc_v,
                     gsem_a, gsem_b, osem_a, osem_b):
    wid = lax.axis_index("s") * NC + lax.axis_index("c")
    pat = (lax.iota(jnp.int32, 16) % 2) * C
    gsems = (gsem_a, gsem_b)
    osems = (osem_a, osem_b)

    pltpu.sync_copy(idx_hbm.at[pl.ds(wid * _IDX_ROWS_W, _IDX_ROWS_W)], idx_v)

    def off_body(r, carry):
        for k in range(128 // 16):
            s = pl.ds(k * 16, 16)
            idx_v[r, s] = idx_v[r, s] + pat
        return carry

    lax.fori_loop(0, _IDX_ROWS_W, off_body, 0)

    hi_mask = jnp.int32(-65536)

    def fire(c, buf):
        for g in range(G):
            pltpu.async_copy(pb_hbm.at[idx_v.at[c * G + g]],
                             rows_v.at[buf, pl.ds(g * 128, 128)], gsems[buf])

    def drain_gathers(buf):
        for g in range(G):
            pltpu.make_async_copy(
                pb_hbm.at[pl.ds(0, 128)],
                rows_v.at[buf, pl.ds(g * 128, 128)], gsems[buf]).wait()

    def drain_out(buf):
        pltpu.make_async_copy(
            acc_v.at[buf], out_hbm.at[pl.ds(0, CH)], osems[buf]).wait()

    fire(0, 0)
    fire(1, 1)

    def chunk_pair(j, carry):
        for b in range(2):
            c = 2 * j + b
            drain_gathers(b)

            @pl.when(c >= 2)
            def _():
                drain_out(b)

            @plsc.parallel_loop(0, CH, 1, unroll=4)
            def _(t, _b=b):
                for d in range(H // 32):
                    s = pl.ds(d * 16, 16)
                    wa = rows_v[_b, 2 * t, s]
                    wb = rows_v[_b, 2 * t + 1, s]
                    lo = (lax.bitcast_convert_type(wa << 16, jnp.float32)
                          + lax.bitcast_convert_type(wb << 16, jnp.float32))
                    hi = (lax.bitcast_convert_type(wa & hi_mask, jnp.float32)
                          + lax.bitcast_convert_type(wb & hi_mask,
                                                     jnp.float32))
                    acc_v[_b, t, pl.ds(d * 32, 16)] = lo
                    acc_v[_b, t, pl.ds(d * 32 + 16, 16)] = hi
            tok_base = wid * TOK_PER_W + c * CH
            pltpu.async_copy(acc_v.at[b],
                             out_hbm.at[pl.ds(tok_base, CH)], osems[b])

            @pl.when(c + 2 < NCHUNK)
            def _():
                fire(c + 2, b)

        return carry

    lax.fori_loop(0, NCHUNK // 2, chunk_pair, 0)
    for b in range(2):
        drain_out(b)


def _gather_sum(idxr, pb_i32):
    mesh = plsc.VectorSubcoreMesh(core_axis_name="c", subcore_axis_name="s",
                                  num_cores=NC, num_subcores=NS)
    return pl.kernel(
        _gather_sum_body,
        out_type=jax.ShapeDtypeStruct((NT, H), jnp.float32),
        mesh=mesh,
        compiler_params=pltpu.CompilerParams(use_tc_tiling_on_sc=False),
        scratch_types=[
            pltpu.VMEM((_IDX_ROWS_W, 128), jnp.int32),
            pltpu.VMEM((2, 2 * CH, HW), jnp.int32),
            pltpu.VMEM((2, CH, H), jnp.float32),
            pltpu.SemaphoreType.DMA,
            pltpu.SemaphoreType.DMA,
            pltpu.SemaphoreType.DMA,
            pltpu.SemaphoreType.DMA,
        ],
    )(idxr, pb_i32)


_MLP_BLK = 2048


def _mlp_body(zp_ref, b1_ref, w2_ref, b2_ref, w3_ref, b3_ref, out_ref):
    h = jnp.maximum(zp_ref[...] + b1_ref[...], 0.0)
    h = jnp.dot(h, w2_ref[...], preferred_element_type=jnp.float32)
    h = jnp.maximum(h + b2_ref[...], 0.0)
    out_ref[...] = jnp.dot(h, w3_ref[...],
                           preferred_element_type=jnp.float32) + b3_ref[...]


def _mlp(zp_i32, b1, w2, b2, w3, b3):
    nblk = NT // _MLP_BLK
    return pl.pallas_call(
        _mlp_body,
        grid=(nblk,),
        in_specs=[
            pl.BlockSpec((_MLP_BLK, H), lambda i: (i, 0)),
            pl.BlockSpec((1, H), lambda i: (0, 0)),
            pl.BlockSpec((H, H), lambda i: (0, 0)),
            pl.BlockSpec((1, H), lambda i: (0, 0)),
            pl.BlockSpec((H, A), lambda i: (0, 0)),
            pl.BlockSpec((1, A), lambda i: (0, 0)),
        ],
        out_specs=pl.BlockSpec((_MLP_BLK, A), lambda i: (i, 0)),
        out_shape=jax.ShapeDtypeStruct((NT, A), jnp.float32),
    )(zp_i32, b1, w2, b2, w3, b3)


def kernel(encoding_indices, codebooks, W1, b1, W2, b2, W3, b3):
    idxr = encoding_indices.astype(jnp.int32).reshape(IDX_ROWS, 128)
    pb = _project(codebooks.reshape(Q * C, D), W1)
    pb_i32 = jax.lax.bitcast_convert_type(pb.reshape(Q * C, HW, 2), jnp.int32)
    zp = _gather_sum(idxr, pb_i32)
    out = _mlp(zp, b1[_PERM].reshape(1, H), W2[_PERM, :],
               b2.reshape(1, H), W3, b3.reshape(1, A))
    return out.reshape(NT, 1, A)

# --- scband reference (transcript-rebuilt; emitter-appended) ---
"""Pipeline reference for scband-vq-vae-27058293965240 (READ-ONLY COPY).

The authoritative reference and input builder live on the scoring server;
editing this copy changes nothing except your own understanding.
"""

import jax, jax.numpy as jnp
import numpy as np

NT = 65536
Q = 2      # vqvae_groups (num_quantizers)
C = 1024   # vqvae_n_embed (codebook_size)
D = 512    # n_latent_dims
H = 128    # EncoderMLP hidden_dim
A = 7      # input_dim_w (input_dim_h == 1)
ACT_SCALE = 1.0


def setup_inputs(seed: int = 0) -> dict:
    key = jax.random.key(seed)
    ks = jax.random.split(key, 8)
    encoding_indices = jax.random.randint(ks[0], (NT, Q), 0, C, dtype=jnp.int64 if jax.config.jax_enable_x64 else jnp.int32)
    codebooks = jax.random.normal(ks[1], (Q, C, D), dtype=jnp.float32) * 0.02
    W1 = jax.random.normal(ks[2], (D, H), dtype=jnp.float32) * 0.02
    b1 = jnp.zeros((H,), dtype=jnp.float32)
    W2 = jax.random.normal(ks[3], (H, H), dtype=jnp.float32) * 0.02
    b2 = jnp.zeros((H,), dtype=jnp.float32)
    W3 = jax.random.normal(ks[4], (H, A), dtype=jnp.float32) * 0.02
    b3 = jnp.zeros((A,), dtype=jnp.float32)
    return {"encoding_indices": encoding_indices, "codebooks": codebooks,
            "W1": W1, "b1": b1, "W2": W2, "b2": b2, "W3": W3, "b3": b3}


def reference(encoding_indices, codebooks, W1, b1, W2, b2, W3, b3):
    # ResidualVQ.get_codes_from_indices: gather codewords per quantizer,
    # masking -1 indices (padding) to zero vectors.
    mask = encoding_indices == -1                       # (NT, Q)
    idx = jnp.where(mask, 0, encoding_indices)          # (NT, Q)
    # codes[q] = codebooks[q][idx[:, q]]  -> (Q, NT, D)
    codes = jax.vmap(lambda cb, i: jnp.take(cb, i, axis=0))(codebooks, idx.T)
    codes = jnp.where(mask.T[:, :, None], 0.0, codes)
    # VqVae.draw_code_forward: sum over quantizers -> latent (NT, D)
    z = codes.sum(axis=0)
    # VqVae.get_action_from_latent: decoder EncoderMLP (Linear-ReLU-Linear-ReLU-Linear)
    h = jax.nn.relu(z @ W1 + b1)
    h = jax.nn.relu(h @ W2 + b2)
    out = (h @ W3 + b3) * ACT_SCALE                     # (NT, A)
    # einops.rearrange 'N (T A) -> N T A' with A=7, T=input_dim_h=1
    return out.reshape(NT, 1, A)

if __name__ == "__main__":
    import jax
    _d = setup_inputs()
    print(jax.jit(kernel)(*tuple(_d.values())))

</pallas_src>

<mosaic_0001>
#map = affine_map<(d0, d1) -> (0, 0)>
module attributes {stable_mosaic.version = 14 : i64} {
  func.func @_gather_sum_body(%arg0: i32, %arg1: i32, %arg2: memref<1024x128xi32, #tpu.memory_space<hbm>>, %arg3: memref<2048x64xi32, #tpu.memory_space<hbm>>, %arg4: memref<65536x128xf32, #tpu.memory_space<hbm>>, %arg5: memref<32x128xi32, #tpu.memory_space<vmem>>, %arg6: memref<2x256x64xi32, #tpu.memory_space<vmem>>, %arg7: memref<2x128x128xf32, #tpu.memory_space<vmem>>, %arg8: memref<!tpu.dma_semaphore, #tpu.memory_space<semaphore_mem>>, %arg9: memref<!tpu.dma_semaphore, #tpu.memory_space<semaphore_mem>>, %arg10: memref<!tpu.dma_semaphore, #tpu.memory_space<semaphore_mem>>, %arg11: memref<!tpu.dma_semaphore, #tpu.memory_space<semaphore_mem>>) attributes {dimension_semantics = [#tpu.dimension_semantics<core_parallel>, #tpu.dimension_semantics<subcore_parallel>], iteration_bounds = array<i64: 2, 16>, scalar_prefetch = 0 : i64, scratch_operands = 7 : i64, tpu.core_type = #tpu.core_type<sc_vector_subcore>, window_params = [{transform_indices = #map}, {transform_indices = #map}, {transform_indices = #map}]} {
    %mul3A = arith.constant 2 : i32
    %mul3A_0 = arith.muli %arg1, %mul3A : i32
    %add3A = arith.addi %mul3A_0, %arg0 : i32
    %iota3A = tpu.iota {dimensions = array<i32: 0>} : vector<16xi32>
    %jit3A = arith.constant 2 : i32
    %eq3A = arith.constant 0 : i32
    %eq3A_1 = arith.cmpi eq, %jit3A, %eq3A : i32
    %jit3A_2 = arith.constant 1 : i32
    %select_n3A = arith.select %eq3A_1, %jit3A_2, %jit3A : i32
    %rem3A = vector.broadcast %select_n3A : i32 to vector<16xi32>
    %rem3A_3 = arith.remsi %iota3A, %rem3A : vector<16xi32>
    %ne3A = arith.constant 0 : i32
    %ne3A_4 = vector.broadcast %ne3A : i32 to vector<16xi32>
    %ne3A_5 = arith.cmpi ne, %rem3A_3, %ne3A_4 : vector<16xi32>
    %lt3A = arith.constant 0 : i32
    %lt3A_6 = vector.broadcast %lt3A : i32 to vector<16xi32>
    %lt3A_7 = arith.cmpi slt, %rem3A_3, %lt3A_6 : vector<16xi32>
    %lt3A_8 = arith.constant 0 : i32
    %lt3A_9 = arith.cmpi slt, %select_n3A, %lt3A_8 : i32
    %ne3A_10 = vector.broadcast %lt3A_9 : i1 to vector<16xi1>
    %ne3A_11 = vector.broadcast %ne3A_10 : vector<16xi1> to vector<16xi1>
    %ne3A_12 = arith.xori %lt3A_7, %ne3A_11 : vector<16xi1>
    %and3A = arith.andi %ne3A_12, %ne3A_5 : vector<16xi1>
    %add3A_13 = vector.broadcast %select_n3A : i32 to vector<16xi32>
    %add3A_14 = arith.addi %rem3A_3, %add3A_13 : vector<16xi32>
    %select_n3A_15 = arith.select %and3A, %add3A_14, %rem3A_3 : vector<16xi1>, vector<16xi32>
    %mul3A_16 = arith.constant 1024 : i32
    %mul3A_17 = vector.broadcast %mul3A_16 : i32 to vector<16xi32>
    %mul3A_18 = arith.muli %select_n3A_15, %mul3A_17 : vector<16xi32>
    %mul3A_19 = arith.constant 32 : i32
    %mul3A_20 = arith.muli %add3A, %mul3A_19 : i32
    "tpu.region"() ({
      %run_scoped3A = tpu.sem_alloc : memref<!tpu.dma_semaphore, #tpu.memory_space<semaphore_mem>>
      %dma_start3A_109 = arith.constant 0 : i32
      %dma_start3A_110 = tpu.memref_slice %arg2[%mul3A_20, %dma_start3A_109] : memref<1024x128xi32, #tpu.memory_space<hbm>> -> memref<32x128xi32, #tpu.memory_space<hbm>>
      %dma_start3A_111 = arith.constant 0 : i32
      %dma_start3A_112 = tpu.memref_slice %arg2[%mul3A_20, %dma_start3A_111] : memref<1024x128xi32, #tpu.memory_space<hbm>> -> memref<32x128xi32, #tpu.memory_space<hbm>>
      tpu.enqueue_dma source(%dma_start3A_112 : memref<32x128xi32, #tpu.memory_space<hbm>>) target(%arg5 : memref<32x128xi32, #tpu.memory_space<vmem>>) target_semaphore(%run_scoped3A : memref<!tpu.dma_semaphore, #tpu.memory_space<semaphore_mem>>)
      %dma_wait3A_113 = arith.constant 0 : i32
      %dma_wait3A_114 = tpu.memref_slice %arg2[%mul3A_20, %dma_wait3A_113] : memref<1024x128xi32, #tpu.memory_space<hbm>> -> memref<32x128xi32, #tpu.memory_space<hbm>>
      %dma_wait3A_115 = arith.constant 0 : i32
      %dma_wait3A_116 = tpu.memref_slice %arg2[%mul3A_20, %dma_wait3A_115] : memref<1024x128xi32, #tpu.memory_space<hbm>> -> memref<32x128xi32, #tpu.memory_space<hbm>>
      tpu.wait_dma2 semaphore(%run_scoped3A : memref<!tpu.dma_semaphore, #tpu.memory_space<semaphore_mem>>) src(%dma_wait3A_116 : memref<32x128xi32, #tpu.memory_space<hbm>>) dst(%arg5 : memref<32x128xi32, #tpu.memory_space<vmem>>)
      tpu.yield
    }) : () -> ()
    %scan3A = arith.constant 0 : i32
    %scan3A_21 = arith.constant 0 : i32
    %scan3A_22 = arith.constant 32 : i32
    %scan3A_23 = arith.addi %scan3A_21, %scan3A_22 : i32
    %scan3A_24 = arith.constant 1 : i32
    scf.for %scan3A_109 = %scan3A_21 to %scan3A_23 step %scan3A_24  : i32 {
      %get3A = arith.index_cast %scan3A_109 : i32 to index
      %get3A_110 = arith.constant 0 : index
      %get3A_111 = tpu.vector_load %arg5[%get3A, %get3A_110] {strides = array<i32>} : memref<32x128xi32, #tpu.memory_space<vmem>>, vector<1x16xi32>,
      %get3A_112 = vector.shape_cast %get3A_111 : vector<1x16xi32> to vector<16xi32>
      %add3A_113 = arith.addi %get3A_112, %mul3A_18 : vector<16xi32>
      %swap3A = arith.index_cast %scan3A_109 : i32 to index
      %swap3A_114 = arith.constant 0 : index
      %swap3A_115 = tpu.vector_load %arg5[%swap3A, %swap3A_114] {strides = array<i32>} : memref<32x128xi32, #tpu.memory_space<vmem>>, vector<1x16xi32>,
      %swap3A_116 = vector.shape_cast %swap3A_115 : vector<1x16xi32> to vector<16xi32>
      %swap3A_117 = vector.shape_cast %add3A_113 : vector<16xi32> to vector<1x16xi32>
      tpu.vector_store %arg5[%swap3A, %swap3A_114], %swap3A_117 {strides = array<i32>} : memref<32x128xi32, #tpu.memory_space<vmem>>, vector<1x16xi32>,
      %get3A_118 = arith.index_cast %scan3A_109 : i32 to index
      %get3A_119 = arith.constant 16 : index
      %get3A_120 = tpu.vector_load %arg5[%get3A_118, %get3A_119] {strides = array<i32>} : memref<32x128xi32, #tpu.memory_space<vmem>>, vector<1x16xi32>,
      %get3A_121 = vector.shape_cast %get3A_120 : vector<1x16xi32> to vector<16xi32>
      %add3A_122 = arith.addi %get3A_121, %mul3A_18 : vector<16xi32>
      %swap3A_123 = arith.index_cast %scan3A_109 : i32 to index
      %swap3A_124 = arith.constant 16 : index
      %swap3A_125 = tpu.vector_load %arg5[%swap3A_123, %swap3A_124] {strides = array<i32>} : memref<32x128xi32, #tpu.memory_space<vmem>>, vector<1x16xi32>,
      %swap3A_126 = vector.shape_cast %swap3A_125 : vector<1x16xi32> to vector<16xi32>
      %swap3A_127 = vector.shape_cast %add3A_122 : vector<16xi32> to vector<1x16xi32>
      tpu.vector_store %arg5[%swap3A_123, %swap3A_124], %swap3A_127 {strides = array<i32>} : memref<32x128xi32, #tpu.memory_space<vmem>>, vector<1x16xi32>,
      %get3A_128 = arith.index_cast %scan3A_109 : i32 to index
      %get3A_129 = arith.constant 32 : index
      %get3A_130 = tpu.vector_load %arg5[%get3A_128, %get3A_129] {strides = array<i32>} : memref<32x128xi32, #tpu.memory_space<vmem>>, vector<1x16xi32>,
      %get3A_131 = vector.shape_cast %get3A_130 : vector<1x16xi32> to vector<16xi32>
      %add3A_132 = arith.addi %get3A_131, %mul3A_18 : vector<16xi32>
      %swap3A_133 = arith.index_cast %scan3A_109 : i32 to index
      %swap3A_134 = arith.constant 32 : index
      %swap3A_135 = tpu.vector_load %arg5[%swap3A_133, %swap3A_134] {strides = array<i32>} : memref<32x128xi32, #tpu.memory_space<vmem>>, vector<1x16xi32>,
      %swap3A_136 = vector.shape_cast %swap3A_135 : vector<1x16xi32> to vector<16xi32>
      %swap3A_137 = vector.shape_cast %add3A_132 : vector<16xi32> to vector<1x16xi32>
      tpu.vector_store %arg5[%swap3A_133, %swap3A_134], %swap3A_137 {strides = array<i32>} : memref<32x128xi32, #tpu.memory_space<vmem>>, vector<1x16xi32>,
      %get3A_138 = arith.index_cast %scan3A_109 : i32 to index
      %get3A_139 = arith.constant 48 : index
      %get3A_140 = tpu.vector_load %arg5[%get3A_138, %get3A_139] {strides = array<i32>} : memref<32x128xi32, #tpu.memory_space<vmem>>, vector<1x16xi32>,
      %get3A_141 = vector.shape_cast %get3A_140 : vector<1x16xi32> to vector<16xi32>
      %add3A_142 = arith.addi %get3A_141, %mul3A_18 : vector<16xi32>
      %swap3A_143 = arith.index_cast %scan3A_109 : i32 to index
      %swap3A_144 = arith.constant 48 : index
      %swap3A_145 = tpu.vector_load %arg5[%swap3A_143, %swap3A_144] {strides = array<i32>} : memref<32x128xi32, #tpu.memory_space<vmem>>, vector<1x16xi32>,
      %swap3A_146 = vector.shape_cast %swap3A_145 : vector<1x16xi32> to vector<16xi32>
      %swap3A_147 = vector.shape_cast %add3A_142 : vector<16xi32> to vector<1x16xi32>
      tpu.vector_store %arg5[%swap3A_143, %swap3A_144], %swap3A_147 {strides = array<i32>} : memref<32x128xi32, #tpu.memory_space<vmem>>, vector<1x16xi32>,
      %get3A_148 = arith.index_cast %scan3A_109 : i32 to index
      %get3A_149 = arith.constant 64 : index
      %get3A_150 = tpu.vector_load %arg5[%get3A_148, %get3A_149] {strides = array<i32>} : memref<32x128xi32, #tpu.memory_space<vmem>>, vector<1x16xi32>,
      %get3A_151 = vector.shape_cast %get3A_150 : vector<1x16xi32> to vector<16xi32>
      %add3A_152 = arith.addi %get3A_151, %mul3A_18 : vector<16xi32>
      %swap3A_153 = arith.index_cast %scan3A_109 : i32 to index
      %swap3A_154 = arith.constant 64 : index
      %swap3A_155 = tpu.vector_load %arg5[%swap3A_153, %swap3A_154] {strides = array<i32>} : memref<32x128xi32, #tpu.memory_space<vmem>>, vector<1x16xi32>,
      %swap3A_156 = vector.shape_cast %swap3A_155 : vector<1x16xi32> to vector<16xi32>
      %swap3A_157 = vector.shape_cast %add3A_152 : vector<16xi32> to vector<1x16xi32>
      tpu.vector_store %arg5[%swap3A_153, %swap3A_154], %swap3A_157 {strides = array<i32>} : memref<32x128xi32, #tpu.memory_space<vmem>>, vector<1x16xi32>,
      %get3A_158 = arith.index_cast %scan3A_109 : i32 to index
      %get3A_159 = arith.constant 80 : index
      %get3A_160 = tpu.vector_load %arg5[%get3A_158, %get3A_159] {strides = array<i32>} : memref<32x128xi32, #tpu.memory_space<vmem>>, vector<1x16xi32>,
      %get3A_161 = vector.shape_cast %get3A_160 : vector<1x16xi32> to vector<16xi32>
      %add3A_162 = arith.addi %get3A_161, %mul3A_18 : vector<16xi32>
      %swap3A_163 = arith.index_cast %scan3A_109 : i32 to index
      %swap3A_164 = arith.constant 80 : index
      %swap3A_165 = tpu.vector_load %arg5[%swap3A_163, %swap3A_164] {strides = array<i32>} : memref<32x128xi32, #tpu.memory_space<vmem>>, vector<1x16xi32>,
      %swap3A_166 = vector.shape_cast %swap3A_165 : vector<1x16xi32> to vector<16xi32>
      %swap3A_167 = vector.shape_cast %add3A_162 : vector<16xi32> to vector<1x16xi32>
      tpu.vector_store %arg5[%swap3A_163, %swap3A_164], %swap3A_167 {strides = array<i32>} : memref<32x128xi32, #tpu.memory_space<vmem>>, vector<1x16xi32>,
      %get3A_168 = arith.index_cast %scan3A_109 : i32 to index
      %get3A_169 = arith.constant 96 : index
      %get3A_170 = tpu.vector_load %arg5[%get3A_168, %get3A_169] {strides = array<i32>} : memref<32x128xi32, #tpu.memory_space<vmem>>, vector<1x16xi32>,
      %get3A_171 = vector.shape_cast %get3A_170 : vector<1x16xi32> to vector<16xi32>
      %add3A_172 = arith.addi %get3A_171, %mul3A_18 : vector<16xi32>
      %swap3A_173 = arith.index_cast %scan3A_109 : i32 to index
      %swap3A_174 = arith.constant 96 : index
      %swap3A_175 = tpu.vector_load %arg5[%swap3A_173, %swap3A_174] {strides = array<i32>} : memref<32x128xi32, #tpu.memory_space<vmem>>, vector<1x16xi32>,
      %swap3A_176 = vector.shape_cast %swap3A_175 : vector<1x16xi32> to vector<16xi32>
      %swap3A_177 = vector.shape_cast %add3A_172 : vector<16xi32> to vector<1x16xi32>
      tpu.vector_store %arg5[%swap3A_173, %swap3A_174], %swap3A_177 {strides = array<i32>} : memref<32x128xi32, #tpu.memory_space<vmem>>, vector<1x16xi32>,
      %get3A_178 = arith.index_cast %scan3A_109 : i32 to index
      %get3A_179 = arith.constant 112 : index
      %get3A_180 = tpu.vector_load %arg5[%get3A_178, %get3A_179] {strides = array<i32>} : memref<32x128xi32, #tpu.memory_space<vmem>>, vector<1x16xi32>,
      %get3A_181 = vector.shape_cast %get3A_180 : vector<1x16xi32> to vector<16xi32>
      %add3A_182 = arith.addi %get3A_181, %mul3A_18 : vector<16xi32>
      %swap3A_183 = arith.index_cast %scan3A_109 : i32 to index
      %swap3A_184 = arith.constant 112 : index
      %swap3A_185 = tpu.vector_load %arg5[%swap3A_183, %swap3A_184] {strides = array<i32>} : memref<32x128xi32, #tpu.memory_space<vmem>>, vector<1x16xi32>,
      %swap3A_186 = vector.shape_cast %swap3A_185 : vector<1x16xi32> to vector<16xi32>
      %swap3A_187 = vector.shape_cast %add3A_182 : vector<16xi32> to vector<1x16xi32>
      tpu.vector_store %arg5[%swap3A_183, %swap3A_184], %swap3A_187 {strides = array<i32>} : memref<32x128xi32, #tpu.memory_space<vmem>>, vector<1x16xi32>,
    }
    %scan3A_25 = arith.constant 32 : i32
    %dma_start3A = arith.constant 0 : i32
    %dma_start3A_26 = arith.constant 0 : i32
    %dma_start3A_27 = arith.constant 0 : i32
    %dma_start3A_28 = arith.constant 0 : i32
    %dma_start3A_29 = tpu.memref_slice %arg6[%dma_start3A_26, %dma_start3A_27, %dma_start3A_28] : memref<2x256x64xi32, #tpu.memory_space<vmem>> -> memref<1x128x64xi32, #tpu.memory_space<vmem>>
    %dma_start3A_30 = tpu.memref_squeeze %dma_start3A_29 : memref<1x128x64xi32, #tpu.memory_space<vmem>> -> memref<128x64xi32, #tpu.memory_space<vmem>>
    %dma_start3A_31 = arith.constant 0 : i32
    %dma_start3A_32 = tpu.memref_slice %arg5[%dma_start3A, %dma_start3A_31] : memref<32x128xi32, #tpu.memory_space<vmem>> -> memref<1x128xi32, #tpu.memory_space<vmem>>
    %dma_start3A_33 = tpu.memref_squeeze %dma_start3A_32 : memref<1x128xi32, #tpu.memory_space<vmem>> -> memref<128xi32, #tpu.memory_space<vmem>>
    %dma_start3A_34 = arith.constant 0 : i32
    %dma_start3A_35 = arith.constant 0 : i32
    %dma_start3A_36 = tpu.memref_slice %arg3[%dma_start3A_34, %dma_start3A_35] : memref<2048x64xi32, #tpu.memory_space<hbm>> -> memref<2048x64xi32, #tpu.memory_space<hbm>>
    tpu.enqueue_indirect_dma source(%dma_start3A_36 : memref<2048x64xi32, #tpu.memory_space<hbm>>) target(%dma_start3A_30 : memref<128x64xi32, #tpu.memory_space<vmem>>) offsets(%dma_start3A_33 : memref<128xi32, #tpu.memory_space<vmem>>) semaphore(%arg8 : memref<!tpu.dma_semaphore, #tpu.memory_space<semaphore_mem>>)
    %dma_start3A_37 = arith.constant 1 : i32
    %dma_start3A_38 = arith.constant 0 : i32
    %dma_start3A_39 = arith.constant 128 : i32
    %dma_start3A_40 = arith.constant 0 : i32
    %dma_start3A_41 = tpu.memref_slice %arg6[%dma_start3A_38, %dma_start3A_39, %dma_start3A_40] : memref<2x256x64xi32, #tpu.memory_space<vmem>> -> memref<1x128x64xi32, #tpu.memory_space<vmem>>
    %dma_start3A_42 = tpu.memref_squeeze %dma_start3A_41 : memref<1x128x64xi32, #tpu.memory_space<vmem>> -> memref<128x64xi32, #tpu.memory_space<vmem>>
    %dma_start3A_43 = arith.constant 0 : i32
    %dma_start3A_44 = tpu.memref_slice %arg5[%dma_start3A_37, %dma_start3A_43] : memref<32x128xi32, #tpu.memory_space<vmem>> -> memref<1x128xi32, #tpu.memory_space<vmem>>
    %dma_start3A_45 = tpu.memref_squeeze %dma_start3A_44 : memref<1x128xi32, #tpu.memory_space<vmem>> -> memref<128xi32, #tpu.memory_space<vmem>>
    %dma_start3A_46 = arith.constant 0 : i32
    %dma_start3A_47 = arith.constant 0 : i32
    %dma_start3A_48 = tpu.memref_slice %arg3[%dma_start3A_46, %dma_start3A_47] : memref<2048x64xi32, #tpu.memory_space<hbm>> -> memref<2048x64xi32, #tpu.memory_space<hbm>>
    tpu.enqueue_indirect_dma source(%dma_start3A_48 : memref<2048x64xi32, #tpu.memory_space<hbm>>) target(%dma_start3A_42 : memref<128x64xi32, #tpu.memory_space<vmem>>) offsets(%dma_start3A_45 : memref<128xi32, #tpu.memory_space<vmem>>) semaphore(%arg8 : memref<!tpu.dma_semaphore, #tpu.memory_space<semaphore_mem>>)
    %dma_start3A_49 = arith.constant 2 : i32
    %dma_start3A_50 = arith.constant 1 : i32
    %dma_start3A_51 = arith.constant 0 : i32
    %dma_start3A_52 = arith.constant 0 : i32
    %dma_start3A_53 = tpu.memref_slice %arg6[%dma_start3A_50, %dma_start3A_51, %dma_start3A_52] : memref<2x256x64xi32, #tpu.memory_space<vmem>> -> memref<1x128x64xi32, #tpu.memory_space<vmem>>
    %dma_start3A_54 = tpu.memref_squeeze %dma_start3A_53 : memref<1x128x64xi32, #tpu.memory_space<vmem>> -> memref<128x64xi32, #tpu.memory_space<vmem>>
    %dma_start3A_55 = arith.constant 0 : i32
    %dma_start3A_56 = tpu.memref_slice %arg5[%dma_start3A_49, %dma_start3A_55] : memref<32x128xi32, #tpu.memory_space<vmem>> -> memref<1x128xi32, #tpu.memory_space<vmem>>
    %dma_start3A_57 = tpu.memref_squeeze %dma_start3A_56 : memref<1x128xi32, #tpu.memory_space<vmem>> -> memref<128xi32, #tpu.memory_space<vmem>>
    %dma_start3A_58 = arith.constant 0 : i32
    %dma_start3A_59 = arith.constant 0 : i32
    %dma_start3A_60 = tpu.memref_slice %arg3[%dma_start3A_58, %dma_start3A_59] : memref<2048x64xi32, #tpu.memory_space<hbm>> -> memref<2048x64xi32, #tpu.memory_space<hbm>>
    tpu.enqueue_indirect_dma source(%dma_start3A_60 : memref<2048x64xi32, #tpu.memory_space<hbm>>) target(%dma_start3A_54 : memref<128x64xi32, #tpu.memory_space<vmem>>) offsets(%dma_start3A_57 : memref<128xi32, #tpu.memory_space<vmem>>) semaphore(%arg9 : memref<!tpu.dma_semaphore, #tpu.memory_space<semaphore_mem>>)
    %dma_start3A_61 = arith.constant 3 : i32
    %dma_start3A_62 = arith.constant 1 : i32
    %dma_start3A_63 = arith.constant 128 : i32
    %dma_start3A_64 = arith.constant 0 : i32
    %dma_start3A_65 = tpu.memref_slice %arg6[%dma_start3A_62, %dma_start3A_63, %dma_start3A_64] : memref<2x256x64xi32, #tpu.memory_space<vmem>> -> memref<1x128x64xi32, #tpu.memory_space<vmem>>
    %dma_start3A_66 = tpu.memref_squeeze %dma_start3A_65 : memref<1x128x64xi32, #tpu.memory_space<vmem>> -> memref<128x64xi32, #tpu.memory_space<vmem>>
    %dma_start3A_67 = arith.constant 0 : i32
    %dma_start3A_68 = tpu.memref_slice %arg5[%dma_start3A_61, %dma_start3A_67] : memref<32x128xi32, #tpu.memory_space<vmem>> -> memref<1x128xi32, #tpu.memory_space<vmem>>
    %dma_start3A_69 = tpu.memref_squeeze %dma_start3A_68 : memref<1x128xi32, #tpu.memory_space<vmem>> -> memref<128xi32, #tpu.memory_space<vmem>>
    %dma_start3A_70 = arith.constant 0 : i32
    %dma_start3A_71 = arith.constant 0 : i32
    %dma_start3A_72 = tpu.memref_slice %arg3[%dma_start3A_70, %dma_start3A_71] : memref<2048x64xi32, #tpu.memory_space<hbm>> -> memref<2048x64xi32, #tpu.memory_space<hbm>>
    tpu.enqueue_indirect_dma source(%dma_start3A_72 : memref<2048x64xi32, #tpu.memory_space<hbm>>) target(%dma_start3A_66 : memref<128x64xi32, #tpu.memory_space<vmem>>) offsets(%dma_start3A_69 : memref<128xi32, #tpu.memory_space<vmem>>) semaphore(%arg9 : memref<!tpu.dma_semaphore, #tpu.memory_space<semaphore_mem>>)
    %scan3A_73 = arith.constant 0 : i32
    %scan3A_74 = arith.constant -65536 : i32
    %scan3A_75 = arith.constant 0 : i32
    %scan3A_76 = arith.constant 8 : i32
    %scan3A_77 = arith.addi %scan3A_75, %scan3A_76 : i32
    %scan3A_78 = arith.constant 1 : i32
    scf.for %scan3A_109 = %scan3A_75 to %scan3A_77 step %scan3A_78  : i32 {
      %mul3A_110 = arith.constant 2 : i32
      %mul3A_111 = arith.muli %mul3A_110, %scan3A_109 : i32
      %add3A_112 = arith.constant 0 : i32
      %add3A_113 = arith.addi %mul3A_111, %add3A_112 : i32
      %dma_wait3A_114 = arith.constant 0 : i32
      %dma_wait3A_115 = arith.constant 0 : i32
      %dma_wait3A_116 = arith.constant 0 : i32
      %dma_wait3A_117 = tpu.memref_slice %arg6[%dma_wait3A_114, %dma_wait3A_115, %dma_wait3A_116] : memref<2x256x64xi32, #tpu.memory_space<vmem>> -> memref<1x128x64xi32, #tpu.memory_space<vmem>>
      %dma_wait3A_118 = tpu.memref_squeeze %dma_wait3A_117 : memref<1x128x64xi32, #tpu.memory_space<vmem>> -> memref<128x64xi32, #tpu.memory_space<vmem>>
      %dma_wait3A_119 = arith.constant 0 : i32
      %dma_wait3A_120 = arith.constant 0 : i32
      %dma_wait3A_121 = tpu.memref_slice %arg3[%dma_wait3A_119, %dma_wait3A_120] : memref<2048x64xi32, #tpu.memory_space<hbm>> -> memref<128x64xi32, #tpu.memory_space<hbm>>
      %dma_wait3A_122 = arith.constant 0 : i32
      %dma_wait3A_123 = arith.constant 0 : i32
      %dma_wait3A_124 = tpu.memref_slice %arg6[%dma_wait3A_114, %dma_wait3A_122, %dma_wait3A_123] : memref<2x256x64xi32, #tpu.memory_space<vmem>> -> memref<1x128x64xi32, #tpu.memory_space<vmem>>
      %dma_wait3A_125 = tpu.memref_squeeze %dma_wait3A_124 : memref<1x128x64xi32, #tpu.memory_space<vmem>> -> memref<128x64xi32, #tpu.memory_space<vmem>>
      %dma_wait3A_126 = arith.constant 0 : i32
      %dma_wait3A_127 = arith.constant 0 : i32
      %dma_wait3A_128 = tpu.memref_slice %arg3[%dma_wait3A_126, %dma_wait3A_127] : memref<2048x64xi32, #tpu.memory_space<hbm>> -> memref<128x64xi32, #tpu.memory_space<hbm>>
      tpu.wait_dma2 semaphore(%arg8 : memref<!tpu.dma_semaphore, #tpu.memory_space<semaphore_mem>>) src(%dma_wait3A_128 : memref<128x64xi32, #tpu.memory_space<hbm>>) dst(%dma_wait3A_125 : memref<128x64xi32, #tpu.memory_space<vmem>>)
      %dma_wait3A_129 = arith.constant 0 : i32
      %dma_wait3A_130 = arith.constant 128 : i32
      %dma_wait3A_131 = arith.constant 0 : i32
      %dma_wait3A_132 = tpu.memref_slice %arg6[%dma_wait3A_129, %dma_wait3A_130, %dma_wait3A_131] : memref<2x256x64xi32, #tpu.memory_space<vmem>> -> memref<1x128x64xi32, #tpu.memory_space<vmem>>
      %dma_wait3A_133 = tpu.memref_squeeze %dma_wait3A_132 : memref<1x128x64xi32, #tpu.memory_space<vmem>> -> memref<128x64xi32, #tpu.memory_space<vmem>>
      %dma_wait3A_134 = arith.constant 0 : i32
      %dma_wait3A_135 = arith.constant 0 : i32
      %dma_wait3A_136 = tpu.memref_slice %arg3[%dma_wait3A_134, %dma_wait3A_135] : memref<2048x64xi32, #tpu.memory_space<hbm>> -> memref<128x64xi32, #tpu.memory_space<hbm>>
      %dma_wait3A_137 = arith.constant 128 : i32
      %dma_wait3A_138 = arith.constant 0 : i32
      %dma_wait3A_139 = tpu.memref_slice %arg6[%dma_wait3A_129, %dma_wait3A_137, %dma_wait3A_138] : memref<2x256x64xi32, #tpu.memory_space<vmem>> -> memref<1x128x64xi32, #tpu.memory_space<vmem>>
      %dma_wait3A_140 = tpu.memref_squeeze %dma_wait3A_139 : memref<1x128x64xi32, #tpu.memory_space<vmem>> -> memref<128x64xi32, #tpu.memory_space<vmem>>
      %dma_wait3A_141 = arith.constant 0 : i32
      %dma_wait3A_142 = arith.constant 0 : i32
      %dma_wait3A_143 = tpu.memref_slice %arg3[%dma_wait3A_141, %dma_wait3A_142] : memref<2048x64xi32, #tpu.memory_space<hbm>> -> memref<128x64xi32, #tpu.memory_space<hbm>>
      tpu.wait_dma2 semaphore(%arg8 : memref<!tpu.dma_semaphore, #tpu.memory_space<semaphore_mem>>) src(%dma_wait3A_143 : memref<128x64xi32, #tpu.memory_space<hbm>>) dst(%dma_wait3A_140 : memref<128x64xi32, #tpu.memory_space<vmem>>)
      %ge3A = arith.constant 2 : i32
      %ge3A_144 = arith.cmpi sge, %add3A_113, %ge3A : i32
      %convert_element_type3A = arith.extui %ge3A_144 : i1 to i32
      %cond3A = arith.constant 0 : i32
      %cond3A_145 = arith.cmpi ne, %convert_element_type3A, %cond3A : i32
      scf.if %cond3A_145 {
        %dma_wait3A_240 = arith.constant 0 : i32
        %dma_wait3A_241 = arith.constant 0 : i32
        %dma_wait3A_242 = arith.constant 0 : i32
        %dma_wait3A_243 = tpu.memref_slice %arg7[%dma_wait3A_240, %dma_wait3A_241, %dma_wait3A_242] : memref<2x128x128xf32, #tpu.memory_space<vmem>> -> memref<1x128x128xf32, #tpu.memory_space<vmem>>
        %dma_wait3A_244 = tpu.memref_squeeze %dma_wait3A_243 : memref<1x128x128xf32, #tpu.memory_space<vmem>> -> memref<128x128xf32, #tpu.memory_space<vmem>>
        %dma_wait3A_245 = arith.constant 0 : i32
        %dma_wait3A_246 = arith.constant 0 : i32
        %dma_wait3A_247 = tpu.memref_slice %arg4[%dma_wait3A_245, %dma_wait3A_246] : memref<65536x128xf32, #tpu.memory_space<hbm>> -> memref<128x128xf32, #tpu.memory_space<hbm>>
        %dma_wait3A_248 = arith.constant 0 : i32
        %dma_wait3A_249 = arith.constant 0 : i32
        %dma_wait3A_250 = tpu.memref_slice %arg4[%dma_wait3A_248, %dma_wait3A_249] : memref<65536x128xf32, #tpu.memory_space<hbm>> -> memref<128x128xf32, #tpu.memory_space<hbm>>
        %dma_wait3A_251 = arith.constant 0 : i32
        %dma_wait3A_252 = arith.constant 0 : i32
        %dma_wait3A_253 = tpu.memref_slice %arg7[%dma_wait3A_240, %dma_wait3A_251, %dma_wait3A_252] : memref<2x128x128xf32, #tpu.memory_space<vmem>> -> memref<1x128x128xf32, #tpu.memory_space<vmem>>
        %dma_wait3A_254 = tpu.memref_squeeze %dma_wait3A_253 : memref<1x128x128xf32, #tpu.memory_space<vmem>> -> memref<128x128xf32, #tpu.memory_space<vmem>>
        tpu.wait_dma2 semaphore(%arg10 : memref<!tpu.dma_semaphore, #tpu.memory_space<semaphore_mem>>) src(%dma_wait3A_254 : memref<128x128xf32, #tpu.memory_space<vmem>>) dst(%dma_wait3A_250 : memref<128x128xf32, #tpu.memory_space<hbm>>)
      } else {
      }
      %parallel_loop3A = arith.constant 0 : i32
      %parallel_loop3A_146 = arith.constant 128 : i32
      %parallel_loop3A_147 = arith.constant 1 : i32
      scf.for %parallel_loop3A_240 = %parallel_loop3A to %parallel_loop3A_146 step %parallel_loop3A_147  : i32 {
        %parallel_loop3A_241 = arith.constant 2 : i32
        %parallel_loop3A_242 = arith.muli %parallel_loop3A_241, %parallel_loop3A_240 : i32
        %parallel_loop3A_243 = arith.constant 0 : i32
        %parallel_loop3A_244 = arith.index_cast %parallel_loop3A_243 : i32 to index
        %parallel_loop3A_245 = arith.index_cast %parallel_loop3A_242 : i32 to index
        %parallel_loop3A_246 = arith.constant 0 : index
        %parallel_loop3A_247 = tpu.vector_load %arg6[%parallel_loop3A_244, %parallel_loop3A_245, %parallel_loop3A_246] {strides = array<i32>} : memref<2x256x64xi32, #tpu.memory_space<vmem>>, vector<1x1x16xi32>,
        %parallel_loop3A_248 = vector.shape_cast %parallel_loop3A_247 : vector<1x1x16xi32> to vector<16xi32>
        %parallel_loop3A_249 = arith.constant 2 : i32
        %parallel_loop3A_250 = arith.muli %parallel_loop3A_249, %parallel_loop3A_240 : i32
        %parallel_loop3A_251 = arith.constant 1 : i32
        %parallel_loop3A_252 = arith.addi %parallel_loop3A_250, %parallel_loop3A_251 : i32
        %parallel_loop3A_253 = arith.constant 0 : i32
        %parallel_loop3A_254 = arith.index_cast %parallel_loop3A_253 : i32 to index
        %parallel_loop3A_255 = arith.index_cast %parallel_loop3A_252 : i32 to index
        %parallel_loop3A_256 = arith.constant 0 : index
        %parallel_loop3A_257 = tpu.vector_load %arg6[%parallel_loop3A_254, %parallel_loop3A_255, %parallel_loop3A_256] {strides = array<i32>} : memref<2x256x64xi32, #tpu.memory_space<vmem>>, vector<1x1x16xi32>,
        %parallel_loop3A_258 = vector.shape_cast %parallel_loop3A_257 : vector<1x1x16xi32> to vector<16xi32>
        %parallel_loop3A_259 = arith.constant 16 : i32
        %parallel_loop3A_260 = vector.broadcast %parallel_loop3A_259 : i32 to vector<16xi32>
        %parallel_loop3A_261 = arith.shli %parallel_loop3A_248, %parallel_loop3A_260 : vector<16xi32>
        %parallel_loop3A_262 = tpu.bitcast %parallel_loop3A_261 : vector<16xi32> -> vector<16xf32>
        %parallel_loop3A_263 = arith.constant 16 : i32
        %parallel_loop3A_264 = vector.broadcast %parallel_loop3A_263 : i32 to vector<16xi32>
        %parallel_loop3A_265 = arith.shli %parallel_loop3A_258, %parallel_loop3A_264 : vector<16xi32>
        %parallel_loop3A_266 = tpu.bitcast %parallel_loop3A_265 : vector<16xi32> -> vector<16xf32>
        %parallel_loop3A_267 = arith.addf %parallel_loop3A_262, %parallel_loop3A_266 : vector<16xf32>
        %parallel_loop3A_268 = vector.broadcast %scan3A_74 : i32 to vector<16xi32>
        %parallel_loop3A_269 = arith.andi %parallel_loop3A_248, %parallel_loop3A_268 : vector<16xi32>
        %parallel_loop3A_270 = tpu.bitcast %parallel_loop3A_269 : vector<16xi32> -> vector<16xf32>
        %parallel_loop3A_271 = vector.broadcast %scan3A_74 : i32 to vector<16xi32>
        %parallel_loop3A_272 = arith.andi %parallel_loop3A_258, %parallel_loop3A_271 : vector<16xi32>
        %parallel_loop3A_273 = tpu.bitcast %parallel_loop3A_272 : vector<16xi32> -> vector<16xf32>
        %parallel_loop3A_274 = arith.addf %parallel_loop3A_270, %parallel_loop3A_273 : vector<16xf32>
        %parallel_loop3A_275 = arith.constant 0 : i32
        %parallel_loop3A_276 = arith.index_cast %parallel_loop3A_275 : i32 to index
        %parallel_loop3A_277 = arith.index_cast %parallel_loop3A_240 : i32 to index
        %parallel_loop3A_278 = arith.constant 0 : index
        %parallel_loop3A_279 = tpu.vector_load %arg7[%parallel_loop3A_276, %parallel_loop3A_277, %parallel_loop3A_278] {strides = array<i32>} : memref<2x128x128xf32, #tpu.memory_space<vmem>>, vector<1x1x16xf32>,
        %parallel_loop3A_280 = vector.shape_cast %parallel_loop3A_279 : vector<1x1x16xf32> to vector<16xf32>
        %parallel_loop3A_281 = vector.shape_cast %parallel_loop3A_267 : vector<16xf32> to vector<1x1x16xf32>
        tpu.vector_store %arg7[%parallel_loop3A_276, %parallel_loop3A_277, %parallel_loop3A_278], %parallel_loop3A_281 {strides = array<i32>} : memref<2x128x128xf32, #tpu.memory_space<vmem>>, vector<1x1x16xf32>,
        %parallel_loop3A_282 = arith.constant 0 : i32
        %parallel_loop3A_283 = arith.index_cast %parallel_loop3A_282 : i32 to index
        %parallel_loop3A_284 = arith.index_cast %parallel_loop3A_240 : i32 to index
        %parallel_loop3A_285 = arith.constant 16 : index
        %parallel_loop3A_286 = tpu.vector_load %arg7[%parallel_loop3A_283, %parallel_loop3A_284, %parallel_loop3A_285] {strides = array<i32>} : memref<2x128x128xf32, #tpu.memory_space<vmem>>, vector<1x1x16xf32>,
        %parallel_loop3A_287 = vector.shape_cast %parallel_loop3A_286 : vector<1x1x16xf32> to vector<16xf32>
        %parallel_loop3A_288 = vector.shape_cast %parallel_loop3A_274 : vector<16xf32> to vector<1x1x16xf32>
        tpu.vector_store %arg7[%parallel_loop3A_283, %parallel_loop3A_284, %parallel_loop3A_285], %parallel_loop3A_288 {strides = array<i32>} : memref<2x128x128xf32, #tpu.memory_space<vmem>>, vector<1x1x16xf32>,
        %parallel_loop3A_289 = arith.constant 2 : i32
        %parallel_loop3A_290 = arith.muli %parallel_loop3A_289, %parallel_loop3A_240 : i32
        %parallel_loop3A_291 = arith.constant 0 : i32
        %parallel_loop3A_292 = arith.index_cast %parallel_loop3A_291 : i32 to index
        %parallel_loop3A_293 = arith.index_cast %parallel_loop3A_290 : i32 to index
        %parallel_loop3A_294 = arith.constant 16 : index
        %parallel_loop3A_295 = tpu.vector_load %arg6[%parallel_loop3A_292, %parallel_loop3A_293, %parallel_loop3A_294] {strides = array<i32>} : memref<2x256x64xi32, #tpu.memory_space<vmem>>, vector<1x1x16xi32>,
        %parallel_loop3A_296 = vector.shape_cast %parallel_loop3A_295 : vector<1x1x16xi32> to vector<16xi32>
        %parallel_loop3A_297 = arith.constant 2 : i32
        %parallel_loop3A_298 = arith.muli %parallel_loop3A_297, %parallel_loop3A_240 : i32
        %parallel_loop3A_299 = arith.constant 1 : i32
        %parallel_loop3A_300 = arith.addi %parallel_loop3A_298, %parallel_loop3A_299 : i32
        %parallel_loop3A_301 = arith.constant 0 : i32
        %parallel_loop3A_302 = arith.index_cast %parallel_loop3A_301 : i32 to index
        %parallel_loop3A_303 = arith.index_cast %parallel_loop3A_300 : i32 to index
        %parallel_loop3A_304 = arith.constant 16 : index
        %parallel_loop3A_305 = tpu.vector_load %arg6[%parallel_loop3A_302, %parallel_loop3A_303, %parallel_loop3A_304] {strides = array<i32>} : memref<2x256x64xi32, #tpu.memory_space<vmem>>, vector<1x1x16xi32>,
        %parallel_loop3A_306 = vector.shape_cast %parallel_loop3A_305 : vector<1x1x16xi32> to vector<16xi32>
        %parallel_loop3A_307 = arith.constant 16 : i32
        %parallel_loop3A_308 = vector.broadcast %parallel_loop3A_307 : i32 to vector<16xi32>
        %parallel_loop3A_309 = arith.shli %parallel_loop3A_296, %parallel_loop3A_308 : vector<16xi32>
        %parallel_loop3A_310 = tpu.bitcast %parallel_loop3A_309 : vector<16xi32> -> vector<16xf32>
        %parallel_loop3A_311 = arith.constant 16 : i32
        %parallel_loop3A_312 = vector.broadcast %parallel_loop3A_311 : i32 to vector<16xi32>
        %parallel_loop3A_313 = arith.shli %parallel_loop3A_306, %parallel_loop3A_312 : vector<16xi32>
        %parallel_loop3A_314 = tpu.bitcast %parallel_loop3A_313 : vector<16xi32> -> vector<16xf32>
        %parallel_loop3A_315 = arith.addf %parallel_loop3A_310, %parallel_loop3A_314 : vector<16xf32>
        %parallel_loop3A_316 = vector.broadcast %scan3A_74 : i32 to vector<16xi32>
        %parallel_loop3A_317 = arith.andi %parallel_loop3A_296, %parallel_loop3A_316 : vector<16xi32>
        %parallel_loop3A_318 = tpu.bitcast %parallel_loop3A_317 : vector<16xi32> -> vector<16xf32>
        %parallel_loop3A_319 = vector.broadcast %scan3A_74 : i32 to vector<16xi32>
        %parallel_loop3A_320 = arith.andi %parallel_loop3A_306, %parallel_loop3A_319 : vector<16xi32>
        %parallel_loop3A_321 = tpu.bitcast %parallel_loop3A_320 : vector<16xi32> -> vector<16xf32>
        %parallel_loop3A_322 = arith.addf %parallel_loop3A_318, %parallel_loop3A_321 : vector<16xf32>
        %parallel_loop3A_323 = arith.constant 0 : i32
        %parallel_loop3A_324 = arith.index_cast %parallel_loop3A_323 : i32 to index
        %parallel_loop3A_325 = arith.index_cast %parallel_loop3A_240 : i32 to index
        %parallel_loop3A_326 = arith.constant 32 : index
        %parallel_loop3A_327 = tpu.vector_load %arg7[%parallel_loop3A_324, %parallel_loop3A_325, %parallel_loop3A_326] {strides = array<i32>} : memref<2x128x128xf32, #tpu.memory_space<vmem>>, vector<1x1x16xf32>,
        %parallel_loop3A_328 = vector.shape_cast %parallel_loop3A_327 : vector<1x1x16xf32> to vector<16xf32>
        %parallel_loop3A_329 = vector.shape_cast %parallel_loop3A_315 : vector<16xf32> to vector<1x1x16xf32>
        tpu.vector_store %arg7[%parallel_loop3A_324, %parallel_loop3A_325, %parallel_loop3A_326], %parallel_loop3A_329 {strides = array<i32>} : memref<2x128x128xf32, #tpu.memory_space<vmem>>, vector<1x1x16xf32>,
        %parallel_loop3A_330 = arith.constant 0 : i32
        %parallel_loop3A_331 = arith.index_cast %parallel_loop3A_330 : i32 to index
        %parallel_loop3A_332 = arith.index_cast %parallel_loop3A_240 : i32 to index
        %parallel_loop3A_333 = arith.constant 48 : index
        %parallel_loop3A_334 = tpu.vector_load %arg7[%parallel_loop3A_331, %parallel_loop3A_332, %parallel_loop3A_333] {strides = array<i32>} : memref<2x128x128xf32, #tpu.memory_space<vmem>>, vector<1x1x16xf32>,
        %parallel_loop3A_335 = vector.shape_cast %parallel_loop3A_334 : vector<1x1x16xf32> to vector<16xf32>
        %parallel_loop3A_336 = vector.shape_cast %parallel_loop3A_322 : vector<16xf32> to vector<1x1x16xf32>
        tpu.vector_store %arg7[%parallel_loop3A_331, %parallel_loop3A_332, %parallel_loop3A_333], %parallel_loop3A_336 {strides = array<i32>} : memref<2x128x128xf32, #tpu.memory_space<vmem>>, vector<1x1x16xf32>,
        %parallel_loop3A_337 = arith.constant 2 : i32
        %parallel_loop3A_338 = arith.muli %parallel_loop3A_337, %parallel_loop3A_240 : i32
        %parallel_loop3A_339 = arith.constant 0 : i32
        %parallel_loop3A_340 = arith.index_cast %parallel_loop3A_339 : i32 to index
        %parallel_loop3A_341 = arith.index_cast %parallel_loop3A_338 : i32 to index
        %parallel_loop3A_342 = arith.constant 32 : index
        %parallel_loop3A_343 = tpu.vector_load %arg6[%parallel_loop3A_340, %parallel_loop3A_341, %parallel_loop3A_342] {strides = array<i32>} : memref<2x256x64xi32, #tpu.memory_space<vmem>>, vector<1x1x16xi32>,
        %parallel_loop3A_344 = vector.shape_cast %parallel_loop3A_343 : vector<1x1x16xi32> to vector<16xi32>
        %parallel_loop3A_345 = arith.constant 2 : i32
        %parallel_loop3A_346 = arith.muli %parallel_loop3A_345, %parallel_loop3A_240 : i32
        %parallel_loop3A_347 = arith.constant 1 : i32
        %parallel_loop3A_348 = arith.addi %parallel_loop3A_346, %parallel_loop3A_347 : i32
        %parallel_loop3A_349 = arith.constant 0 : i32
        %parallel_loop3A_350 = arith.index_cast %parallel_loop3A_349 : i32 to index
        %parallel_loop3A_351 = arith.index_cast %parallel_loop3A_348 : i32 to index
        %parallel_loop3A_352 = arith.constant 32 : index
        %parallel_loop3A_353 = tpu.vector_load %arg6[%parallel_loop3A_350, %parallel_loop3A_351, %parallel_loop3A_352] {strides = array<i32>} : memref<2x256x64xi32, #tpu.memory_space<vmem>>, vector<1x1x16xi32>,
        %parallel_loop3A_354 = vector.shape_cast %parallel_loop3A_353 : vector<1x1x16xi32> to vector<16xi32>
        %parallel_loop3A_355 = arith.constant 16 : i32
        %parallel_loop3A_356 = vector.broadcast %parallel_loop3A_355 : i32 to vector<16xi32>
        %parallel_loop3A_357 = arith.shli %parallel_loop3A_344, %parallel_loop3A_356 : vector<16xi32>
        %parallel_loop3A_358 = tpu.bitcast %parallel_loop3A_357 : vector<16xi32> -> vector<16xf32>
        %parallel_loop3A_359 = arith.constant 16 : i32
        %parallel_loop3A_360 = vector.broadcast %parallel_loop3A_359 : i32 to vector<16xi32>
        %parallel_loop3A_361 = arith.shli %parallel_loop3A_354, %parallel_loop3A_360 : vector<16xi32>
        %parallel_loop3A_362 = tpu.bitcast %parallel_loop3A_361 : vector<16xi32> -> vector<16xf32>
        %parallel_loop3A_363 = arith.addf %parallel_loop3A_358, %parallel_loop3A_362 : vector<16xf32>
        %parallel_loop3A_364 = vector.broadcast %scan3A_74 : i32 to vector<16xi32>
        %parallel_loop3A_365 = arith.andi %parallel_loop3A_344, %parallel_loop3A_364 : vector<16xi32>
        %parallel_loop3A_366 = tpu.bitcast %parallel_loop3A_365 : vector<16xi32> -> vector<16xf32>
        %parallel_loop3A_367 = vector.broadcast %scan3A_74 : i32 to vector<16xi32>
        %parallel_loop3A_368 = arith.andi %parallel_loop3A_354, %parallel_loop3A_367 : vector<16xi32>
        %parallel_loop3A_369 = tpu.bitcast %parallel_loop3A_368 : vector<16xi32> -> vector<16xf32>
        %parallel_loop3A_370 = arith.addf %parallel_loop3A_366, %parallel_loop3A_369 : vector<16xf32>
        %parallel_loop3A_371 = arith.constant 0 : i32
        %parallel_loop3A_372 = arith.index_cast %parallel_loop3A_371 : i32 to index
        %parallel_loop3A_373 = arith.index_cast %parallel_loop3A_240 : i32 to index
        %parallel_loop3A_374 = arith.constant 64 : index
        %parallel_loop3A_375 = tpu.vector_load %arg7[%parallel_loop3A_372, %parallel_loop3A_373, %parallel_loop3A_374] {strides = array<i32>} : memref<2x128x128xf32, #tpu.memory_space<vmem>>, vector<1x1x16xf32>,
        %parallel_loop3A_376 = vector.shape_cast %parallel_loop3A_375 : vector<1x1x16xf32> to vector<16xf32>
        %parallel_loop3A_377 = vector.shape_cast %parallel_loop3A_363 : vector<16xf32> to vector<1x1x16xf32>
        tpu.vector_store %arg7[%parallel_loop3A_372, %parallel_loop3A_373, %parallel_loop3A_374], %parallel_loop3A_377 {strides = array<i32>} : memref<2x128x128xf32, #tpu.memory_space<vmem>>, vector<1x1x16xf32>,
        %parallel_loop3A_378 = arith.constant 0 : i32
        %parallel_loop3A_379 = arith.index_cast %parallel_loop3A_378 : i32 to index
        %parallel_loop3A_380 = arith.index_cast %parallel_loop3A_240 : i32 to index
        %parallel_loop3A_381 = arith.constant 80 : index
        %parallel_loop3A_382 = tpu.vector_load %arg7[%parallel_loop3A_379, %parallel_loop3A_380, %parallel_loop3A_381] {strides = array<i32>} : memref<2x128x128xf32, #tpu.memory_space<vmem>>, vector<1x1x16xf32>,
        %parallel_loop3A_383 = vector.shape_cast %parallel_loop3A_382 : vector<1x1x16xf32> to vector<16xf32>
        %parallel_loop3A_384 = vector.shape_cast %parallel_loop3A_370 : vector<16xf32> to vector<1x1x16xf32>
        tpu.vector_store %arg7[%parallel_loop3A_379, %parallel_loop3A_380, %parallel_loop3A_381], %parallel_loop3A_384 {strides = array<i32>} : memref<2x128x128xf32, #tpu.memory_space<vmem>>, vector<1x1x16xf32>,
        %parallel_loop3A_385 = arith.constant 2 : i32
        %parallel_loop3A_386 = arith.muli %parallel_loop3A_385, %parallel_loop3A_240 : i32
        %parallel_loop3A_387 = arith.constant 0 : i32
        %parallel_loop3A_388 = arith.index_cast %parallel_loop3A_387 : i32 to index
        %parallel_loop3A_389 = arith.index_cast %parallel_loop3A_386 : i32 to index
        %parallel_loop3A_390 = arith.constant 48 : index
        %parallel_loop3A_391 = tpu.vector_load %arg6[%parallel_loop3A_388, %parallel_loop3A_389, %parallel_loop3A_390] {strides = array<i32>} : memref<2x256x64xi32, #tpu.memory_space<vmem>>, vector<1x1x16xi32>,
        %parallel_loop3A_392 = vector.shape_cast %parallel_loop3A_391 : vector<1x1x16xi32> to vector<16xi32>
        %parallel_loop3A_393 = arith.constant 2 : i32
        %parallel_loop3A_394 = arith.muli %parallel_loop3A_393, %parallel_loop3A_240 : i32
        %parallel_loop3A_395 = arith.constant 1 : i32
        %parallel_loop3A_396 = arith.addi %parallel_loop3A_394, %parallel_loop3A_395 : i32
        %parallel_loop3A_397 = arith.constant 0 : i32
        %parallel_loop3A_398 = arith.index_cast %parallel_loop3A_397 : i32 to index
        %parallel_loop3A_399 = arith.index_cast %parallel_loop3A_396 : i32 to index
        %parallel_loop3A_400 = arith.constant 48 : index
        %parallel_loop3A_401 = tpu.vector_load %arg6[%parallel_loop3A_398, %parallel_loop3A_399, %parallel_loop3A_400] {strides = array<i32>} : memref<2x256x64xi32, #tpu.memory_space<vmem>>, vector<1x1x16xi32>,
        %parallel_loop3A_402 = vector.shape_cast %parallel_loop3A_401 : vector<1x1x16xi32> to vector<16xi32>
        %parallel_loop3A_403 = arith.constant 16 : i32
        %parallel_loop3A_404 = vector.broadcast %parallel_loop3A_403 : i32 to vector<16xi32>
        %parallel_loop3A_405 = arith.shli %parallel_loop3A_392, %parallel_loop3A_404 : vector<16xi32>
        %parallel_loop3A_406 = tpu.bitcast %parallel_loop3A_405 : vector<16xi32> -> vector<16xf32>
        %parallel_loop3A_407 = arith.constant 16 : i32
        %parallel_loop3A_408 = vector.broadcast %parallel_loop3A_407 : i32 to vector<16xi32>
        %parallel_loop3A_409 = arith.shli %parallel_loop3A_402, %parallel_loop3A_408 : vector<16xi32>
        %parallel_loop3A_410 = tpu.bitcast %parallel_loop3A_409 : vector<16xi32> -> vector<16xf32>
        %parallel_loop3A_411 = arith.addf %parallel_loop3A_406, %parallel_loop3A_410 : vector<16xf32>
        %parallel_loop3A_412 = vector.broadcast %scan3A_74 : i32 to vector<16xi32>
        %parallel_loop3A_413 = arith.andi %parallel_loop3A_392, %parallel_loop3A_412 : vector<16xi32>
        %parallel_loop3A_414 = tpu.bitcast %parallel_loop3A_413 : vector<16xi32> -> vector<16xf32>
        %parallel_loop3A_415 = vector.broadcast %scan3A_74 : i32 to vector<16xi32>
        %parallel_loop3A_416 = arith.andi %parallel_loop3A_402, %parallel_loop3A_415 : vector<16xi32>
        %parallel_loop3A_417 = tpu.bitcast %parallel_loop3A_416 : vector<16xi32> -> vector<16xf32>
        %parallel_loop3A_418 = arith.addf %parallel_loop3A_414, %parallel_loop3A_417 : vector<16xf32>
        %parallel_loop3A_419 = arith.constant 0 : i32
        %parallel_loop3A_420 = arith.index_cast %parallel_loop3A_419 : i32 to index
        %parallel_loop3A_421 = arith.index_cast %parallel_loop3A_240 : i32 to index
        %parallel_loop3A_422 = arith.constant 96 : index
        %parallel_loop3A_423 = tpu.vector_load %arg7[%parallel_loop3A_420, %parallel_loop3A_421, %parallel_loop3A_422] {strides = array<i32>} : memref<2x128x128xf32, #tpu.memory_space<vmem>>, vector<1x1x16xf32>,
        %parallel_loop3A_424 = vector.shape_cast %parallel_loop3A_423 : vector<1x1x16xf32> to vector<16xf32>
        %parallel_loop3A_425 = vector.shape_cast %parallel_loop3A_411 : vector<16xf32> to vector<1x1x16xf32>
        tpu.vector_store %arg7[%parallel_loop3A_420, %parallel_loop3A_421, %parallel_loop3A_422], %parallel_loop3A_425 {strides = array<i32>} : memref<2x128x128xf32, #tpu.memory_space<vmem>>, vector<1x1x16xf32>,
        %parallel_loop3A_426 = arith.constant 0 : i32
        %parallel_loop3A_427 = arith.index_cast %parallel_loop3A_426 : i32 to index
        %parallel_loop3A_428 = arith.index_cast %parallel_loop3A_240 : i32 to index
        %parallel_loop3A_429 = arith.constant 112 : index
        %parallel_loop3A_430 = tpu.vector_load %arg7[%parallel_loop3A_427, %parallel_loop3A_428, %parallel_loop3A_429] {strides = array<i32>} : memref<2x128x128xf32, #tpu.memory_space<vmem>>, vector<1x1x16xf32>,
        %parallel_loop3A_431 = vector.shape_cast %parallel_loop3A_430 : vector<1x1x16xf32> to vector<16xf32>
        %parallel_loop3A_432 = vector.shape_cast %parallel_loop3A_418 : vector<16xf32> to vector<1x1x16xf32>
        tpu.vector_store %arg7[%parallel_loop3A_427, %parallel_loop3A_428, %parallel_loop3A_429], %parallel_loop3A_432 {strides = array<i32>} : memref<2x128x128xf32, #tpu.memory_space<vmem>>, vector<1x1x16xf32>,
      } {sc.loop_unroll_factor = 4 : i64, sc.parallel_access}
      %mul3A_148 = arith.constant 2048 : i32
      %mul3A_149 = arith.muli %add3A, %mul3A_148 : i32
      %mul3A_150 = arith.constant 128 : i32
      %mul3A_151 = arith.muli %add3A_113, %mul3A_150 : i32
      %add3A_152 = arith.addi %mul3A_149, %mul3A_151 : i32
      %dma_start3A_153 = arith.constant 0 : i32
      %dma_start3A_154 = arith.constant 0 : i32
      %dma_start3A_155 = arith.constant 0 : i32
      %dma_start3A_156 = tpu.memref_slice %arg7[%dma_start3A_153, %dma_start3A_154, %dma_start3A_155] : memref<2x128x128xf32, #tpu.memory_space<vmem>> -> memref<1x128x128xf32, #tpu.memory_space<vmem>>
      %dma_start3A_157 = tpu.memref_squeeze %dma_start3A_156 : memref<1x128x128xf32, #tpu.memory_space<vmem>> -> memref<128x128xf32, #tpu.memory_space<vmem>>
      %dma_start3A_158 = arith.constant 0 : i32
      %dma_start3A_159 = tpu.memref_slice %arg4[%add3A_152, %dma_start3A_158] : memref<65536x128xf32, #tpu.memory_space<hbm>> -> memref<128x128xf32, #tpu.memory_space<hbm>>
      %dma_start3A_160 = arith.constant 0 : i32
      %dma_start3A_161 = tpu.memref_slice %arg4[%add3A_152, %dma_start3A_160] : memref<65536x128xf32, #tpu.memory_space<hbm>> -> memref<128x128xf32, #tpu.memory_space<hbm>>
      %dma_start3A_162 = arith.constant 0 : i32
      %dma_start3A_163 = arith.constant 0 : i32
      %dma_start3A_164 = tpu.memref_slice %arg7[%dma_start3A_153, %dma_start3A_162, %dma_start3A_163] : memref<2x128x128xf32, #tpu.memory_space<vmem>> -> memref<1x128x128xf32, #tpu.memory_space<vmem>>
      %dma_start3A_165 = tpu.memref_squeeze %dma_start3A_164 : memref<1x128x128xf32, #tpu.memory_space<vmem>> -> memref<128x128xf32, #tpu.memory_space<vmem>>
      tpu.enqueue_dma source(%dma_start3A_165 : memref<128x128xf32, #tpu.memory_space<vmem>>) target(%dma_start3A_161 : memref<128x128xf32, #tpu.memory_space<hbm>>) target_semaphore(%arg10 : memref<!tpu.dma_semaphore, #tpu.memory_space<semaphore_mem>>)
      %add3A_166 = arith.constant 2 : i32
      %add3A_167 = arith.addi %add3A_113, %add3A_166 : i32
      %lt3A_168 = arith.constant 16 : i32
      %lt3A_169 = arith.cmpi slt, %add3A_167, %lt3A_168 : i32
      %convert_element_type3A_170 = arith.extui %lt3A_169 : i1 to i32
      %cond3A_171 = arith.constant 0 : i32
      %cond3A_172 = arith.cmpi ne, %convert_element_type3A_170, %cond3A_171 : i32
      scf.if %cond3A_172 {
        %add3A_240 = arith.constant 2 : i32
        %add3A_241 = arith.addi %add3A_113, %add3A_240 : i32
        %mul3A_242 = arith.constant 2 : i32
        %mul3A_243 = arith.muli %add3A_241, %mul3A_242 : i32
        %add3A_244 = arith.constant 0 : i32
        %add3A_245 = arith.addi %mul3A_243, %add3A_244 : i32
        %dma_start3A_246 = arith.constant 0 : i32
        %dma_start3A_247 = arith.constant 0 : i32
        %dma_start3A_248 = arith.constant 0 : i32
        %dma_start3A_249 = tpu.memref_slice %arg6[%dma_start3A_246, %dma_start3A_247, %dma_start3A_248] : memref<2x256x64xi32, #tpu.memory_space<vmem>> -> memref<1x128x64xi32, #tpu.memory_space<vmem>>
        %dma_start3A_250 = tpu.memref_squeeze %dma_start3A_249 : memref<1x128x64xi32, #tpu.memory_space<vmem>> -> memref<128x64xi32, #tpu.memory_space<vmem>>
        %dma_start3A_251 = arith.constant 0 : i32
        %dma_start3A_252 = tpu.memref_slice %arg5[%add3A_245, %dma_start3A_251] : memref<32x128xi32, #tpu.memory_space<vmem>> -> memref<1x128xi32, #tpu.memory_space<vmem>>
        %dma_start3A_253 = tpu.memref_squeeze %dma_start3A_252 : memref<1x128xi32, #tpu.memory_space<vmem>> -> memref<128xi32, #tpu.memory_space<vmem>>
        %dma_start3A_254 = arith.constant 0 : i32
        %dma_start3A_255 = arith.constant 0 : i32
        %dma_start3A_256 = tpu.memref_slice %arg3[%dma_start3A_254, %dma_start3A_255] : memref<2048x64xi32, #tpu.memory_space<hbm>> -> memref<2048x64xi32, #tpu.memory_space<hbm>>
        tpu.enqueue_indirect_dma source(%dma_start3A_256 : memref<2048x64xi32, #tpu.memory_space<hbm>>) target(%dma_start3A_250 : memref<128x64xi32, #tpu.memory_space<vmem>>) offsets(%dma_start3A_253 : memref<128xi32, #tpu.memory_space<vmem>>) semaphore(%arg8 : memref<!tpu.dma_semaphore, #tpu.memory_space<semaphore_mem>>)
        %mul3A_257 = arith.constant 2 : i32
        %mul3A_258 = arith.muli %add3A_241, %mul3A_257 : i32
        %add3A_259 = arith.constant 1 : i32
        %add3A_260 = arith.addi %mul3A_258, %add3A_259 : i32
        %dma_start3A_261 = arith.constant 0 : i32
        %dma_start3A_262 = arith.constant 128 : i32
        %dma_start3A_263 = arith.constant 0 : i32
        %dma_start3A_264 = tpu.memref_slice %arg6[%dma_start3A_261, %dma_start3A_262, %dma_start3A_263] : memref<2x256x64xi32, #tpu.memory_space<vmem>> -> memref<1x128x64xi32, #tpu.memory_space<vmem>>
        %dma_start3A_265 = tpu.memref_squeeze %dma_start3A_264 : memref<1x128x64xi32, #tpu.memory_space<vmem>> -> memref<128x64xi32, #tpu.memory_space<vmem>>
        %dma_start3A_266 = arith.constant 0 : i32
        %dma_start3A_267 = tpu.memref_slice %arg5[%add3A_260, %dma_start3A_266] : memref<32x128xi32, #tpu.memory_space<vmem>> -> memref<1x128xi32, #tpu.memory_space<vmem>>
        %dma_start3A_268 = tpu.memref_squeeze %dma_start3A_267 : memref<1x128xi32, #tpu.memory_space<vmem>> -> memref<128xi32, #tpu.memory_space<vmem>>
        %dma_start3A_269 = arith.constant 0 : i32
        %dma_start3A_270 = arith.constant 0 : i32
        %dma_start3A_271 = tpu.memref_slice %arg3[%dma_start3A_269, %dma_start3A_270] : memref<2048x64xi32, #tpu.memory_space<hbm>> -> memref<2048x64xi32, #tpu.memory_space<hbm>>
        tpu.enqueue_indirect_dma source(%dma_start3A_271 : memref<2048x64xi32, #tpu.memory_space<hbm>>) target(%dma_start3A_265 : memref<128x64xi32, #tpu.memory_space<vmem>>) offsets(%dma_start3A_268 : memref<128xi32, #tpu.memory_space<vmem>>) semaphore(%arg8 : memref<!tpu.dma_semaphore, #tpu.memory_space<semaphore_mem>>)
      } else {
      }
      %mul3A_173 = arith.constant 2 : i32
      %mul3A_174 = arith.muli %mul3A_173, %scan3A_109 : i32
      %add3A_175 = arith.constant 1 : i32
      %add3A_176 = arith.addi %mul3A_174, %add3A_175 : i32
      %dma_wait3A_177 = arith.constant 1 : i32
      %dma_wait3A_178 = arith.constant 0 : i32
      %dma_wait3A_179 = arith.constant 0 : i32
      %dma_wait3A_180 = tpu.memref_slice %arg6[%dma_wait3A_177, %dma_wait3A_178, %dma_wait3A_179] : memref<2x256x64xi32, #tpu.memory_space<vmem>> -> memref<1x128x64xi32, #tpu.memory_space<vmem>>
      %dma_wait3A_181 = tpu.memref_squeeze %dma_wait3A_180 : memref<1x128x64xi32, #tpu.memory_space<vmem>> -> memref<128x64xi32, #tpu.memory_space<vmem>>
      %dma_wait3A_182 = arith.constant 0 : i32
      %dma_wait3A_183 = arith.constant 0 : i32
      %dma_wait3A_184 = tpu.memref_slice %arg3[%dma_wait3A_182, %dma_wait3A_183] : memref<2048x64xi32, #tpu.memory_space<hbm>> -> memref<128x64xi32, #tpu.memory_space<hbm>>
      %dma_wait3A_185 = arith.constant 0 : i32
      %dma_wait3A_186 = arith.constant 0 : i32
      %dma_wait3A_187 = tpu.memref_slice %arg6[%dma_wait3A_177, %dma_wait3A_185, %dma_wait3A_186] : memref<2x256x64xi32, #tpu.memory_space<vmem>> -> memref<1x128x64xi32, #tpu.memory_space<vmem>>
      %dma_wait3A_188 = tpu.memref_squeeze %dma_wait3A_187 : memref<1x128x64xi32, #tpu.memory_space<vmem>> -> memref<128x64xi32, #tpu.memory_space<vmem>>
      %dma_wait3A_189 = arith.constant 0 : i32
      %dma_wait3A_190 = arith.constant 0 : i32
      %dma_wait3A_191 = tpu.memref_slice %arg3[%dma_wait3A_189, %dma_wait3A_190] : memref<2048x64xi32, #tpu.memory_space<hbm>> -> memref<128x64xi32, #tpu.memory_space<hbm>>
      tpu.wait_dma2 semaphore(%arg9 : memref<!tpu.dma_semaphore, #tpu.memory_space<semaphore_mem>>) src(%dma_wait3A_191 : memref<128x64xi32, #tpu.memory_space<hbm>>) dst(%dma_wait3A_188 : memref<128x64xi32, #tpu.memory_space<vmem>>)
      %dma_wait3A_192 = arith.constant 1 : i32
      %dma_wait3A_193 = arith.constant 128 : i32
      %dma_wait3A_194 = arith.constant 0 : i32
      %dma_wait3A_195 = tpu.memref_slice %arg6[%dma_wait3A_192, %dma_wait3A_193, %dma_wait3A_194] : memref<2x256x64xi32, #tpu.memory_space<vmem>> -> memref<1x128x64xi32, #tpu.memory_space<vmem>>
      %dma_wait3A_196 = tpu.memref_squeeze %dma_wait3A_195 : memref<1x128x64xi32, #tpu.memory_space<vmem>> -> memref<128x64xi32, #tpu.memory_space<vmem>>
      %dma_wait3A_197 = arith.constant 0 : i32
      %dma_wait3A_198 = arith.constant 0 : i32
      %dma_wait3A_199 = tpu.memref_slice %arg3[%dma_wait3A_197, %dma_wait3A_198] : memref<2048x64xi32, #tpu.memory_space<hbm>> -> memref<128x64xi32, #tpu.memory_space<hbm>>
      %dma_wait3A_200 = arith.constant 128 : i32
      %dma_wait3A_201 = arith.constant 0 : i32
      %dma_wait3A_202 = tpu.memref_slice %arg6[%dma_wait3A_192, %dma_wait3A_200, %dma_wait3A_201] : memref<2x256x64xi32, #tpu.memory_space<vmem>> -> memref<1x128x64xi32, #tpu.memory_space<vmem>>
      %dma_wait3A_203 = tpu.memref_squeeze %dma_wait3A_202 : memref<1x128x64xi32, #tpu.memory_space<vmem>> -> memref<128x64xi32, #tpu.memory_space<vmem>>
      %dma_wait3A_204 = arith.constant 0 : i32
      %dma_wait3A_205 = arith.constant 0 : i32
      %dma_wait3A_206 = tpu.memref_slice %arg3[%dma_wait3A_204, %dma_wait3A_205] : memref<2048x64xi32, #tpu.memory_space<hbm>> -> memref<128x64xi32, #tpu.memory_space<hbm>>
      tpu.wait_dma2 semaphore(%arg9 : memref<!tpu.dma_semaphore, #tpu.memory_space<semaphore_mem>>) src(%dma_wait3A_206 : memref<128x64xi32, #tpu.memory_space<hbm>>) dst(%dma_wait3A_203 : memref<128x64xi32, #tpu.memory_space<vmem>>)
      %ge3A_207 = arith.constant 2 : i32
      %ge3A_208 = arith.cmpi sge, %add3A_176, %ge3A_207 : i32
      %convert_element_type3A_209 = arith.extui %ge3A_208 : i1 to i32
      %cond3A_210 = arith.constant 0 : i32
      %cond3A_211 = arith.cmpi ne, %convert_element_type3A_209, %cond3A_210 : i32
      scf.if %cond3A_211 {
        %dma_wait3A_240 = arith.constant 1 : i32
        %dma_wait3A_241 = arith.constant 0 : i32
        %dma_wait3A_242 = arith.constant 0 : i32
        %dma_wait3A_243 = tpu.memref_slice %arg7[%dma_wait3A_240, %dma_wait3A_241, %dma_wait3A_242] : memref<2x128x128xf32, #tpu.memory_space<vmem>> -> memref<1x128x128xf32, #tpu.memory_space<vmem>>
        %dma_wait3A_244 = tpu.memref_squeeze %dma_wait3A_243 : memref<1x128x128xf32, #tpu.memory_space<vmem>> -> memref<128x128xf32, #tpu.memory_space<vmem>>
        %dma_wait3A_245 = arith.constant 0 : i32
        %dma_wait3A_246 = arith.constant 0 : i32
        %dma_wait3A_247 = tpu.memref_slice %arg4[%dma_wait3A_245, %dma_wait3A_246] : memref<65536x128xf32, #tpu.memory_space<hbm>> -> memref<128x128xf32, #tpu.memory_space<hbm>>
        %dma_wait3A_248 = arith.constant 0 : i32
        %dma_wait3A_249 = arith.constant 0 : i32
        %dma_wait3A_250 = tpu.memref_slice %arg4[%dma_wait3A_248, %dma_wait3A_249] : memref<65536x128xf32, #tpu.memory_space<hbm>> -> memref<128x128xf32, #tpu.memory_space<hbm>>
        %dma_wait3A_251 = arith.constant 0 : i32
        %dma_wait3A_252 = arith.constant 0 : i32
        %dma_wait3A_253 = tpu.memref_slice %arg7[%dma_wait3A_240, %dma_wait3A_251, %dma_wait3A_252] : memref<2x128x128xf32, #tpu.memory_space<vmem>> -> memref<1x128x128xf32, #tpu.memory_space<vmem>>
        %dma_wait3A_254 = tpu.memref_squeeze %dma_wait3A_253 : memref<1x128x128xf32, #tpu.memory_space<vmem>> -> memref<128x128xf32, #tpu.memory_space<vmem>>
        tpu.wait_dma2 semaphore(%arg11 : memref<!tpu.dma_semaphore, #tpu.memory_space<semaphore_mem>>) src(%dma_wait3A_254 : memref<128x128xf32, #tpu.memory_space<vmem>>) dst(%dma_wait3A_250 : memref<128x128xf32, #tpu.memory_space<hbm>>)
      } else {
      }
      %parallel_loop3A_212 = arith.constant 0 : i32
      %parallel_loop3A_213 = arith.constant 128 : i32
      %parallel_loop3A_214 = arith.constant 1 : i32
      scf.for %parallel_loop3A_240 = %parallel_loop3A_212 to %parallel_loop3A_213 step %parallel_loop3A_214  : i32 {
        %parallel_loop3A_241 = arith.constant 2 : i32
        %parallel_loop3A_242 = arith.muli %parallel_loop3A_241, %parallel_loop3A_240 : i32
        %parallel_loop3A_243 = arith.constant 1 : i32
        %parallel_loop3A_244 = arith.index_cast %parallel_loop3A_243 : i32 to index
        %parallel_loop3A_245 = arith.index_cast %parallel_loop3A_242 : i32 to index
        %parallel_loop3A_246 = arith.constant 0 : index
        %parallel_loop3A_247 = tpu.vector_load %arg6[%parallel_loop3A_244, %parallel_loop3A_245, %parallel_loop3A_246] {strides = array<i32>} : memref<2x256x64xi32, #tpu.memory_space<vmem>>, vector<1x1x16xi32>,
        %parallel_loop3A_248 = vector.shape_cast %parallel_loop3A_247 : vector<1x1x16xi32> to vector<16xi32>
        %parallel_loop3A_249 = arith.constant 2 : i32
        %parallel_loop3A_250 = arith.muli %parallel_loop3A_249, %parallel_loop3A_240 : i32
        %parallel_loop3A_251 = arith.constant 1 : i32
        %parallel_loop3A_252 = arith.addi %parallel_loop3A_250, %parallel_loop3A_251 : i32
        %parallel_loop3A_253 = arith.constant 1 : i32
        %parallel_loop3A_254 = arith.index_cast %parallel_loop3A_253 : i32 to index
        %parallel_loop3A_255 = arith.index_cast %parallel_loop3A_252 : i32 to index
        %parallel_loop3A_256 = arith.constant 0 : index
        %parallel_loop3A_257 = tpu.vector_load %arg6[%parallel_loop3A_254, %parallel_loop3A_255, %parallel_loop3A_256] {strides = array<i32>} : memref<2x256x64xi32, #tpu.memory_space<vmem>>, vector<1x1x16xi32>,
        %parallel_loop3A_258 = vector.shape_cast %parallel_loop3A_257 : vector<1x1x16xi32> to vector<16xi32>
        %parallel_loop3A_259 = arith.constant 16 : i32
        %parallel_loop3A_260 = vector.broadcast %parallel_loop3A_259 : i32 to vector<16xi32>
        %parallel_loop3A_261 = arith.shli %parallel_loop3A_248, %parallel_loop3A_260 : vector<16xi32>
        %parallel_loop3A_262 = tpu.bitcast %parallel_loop3A_261 : vector<16xi32> -> vector<16xf32>
        %parallel_loop3A_263 = arith.constant 16 : i32
        %parallel_loop3A_264 = vector.broadcast %parallel_loop3A_263 : i32 to vector<16xi32>
        %parallel_loop3A_265 = arith.shli %parallel_loop3A_258, %parallel_loop3A_264 : vector<16xi32>
        %parallel_loop3A_266 = tpu.bitcast %parallel_loop3A_265 : vector<16xi32> -> vector<16xf32>
        %parallel_loop3A_267 = arith.addf %parallel_loop3A_262, %parallel_loop3A_266 : vector<16xf32>
        %parallel_loop3A_268 = vector.broadcast %scan3A_74 : i32 to vector<16xi32>
        %parallel_loop3A_269 = arith.andi %parallel_loop3A_248, %parallel_loop3A_268 : vector<16xi32>
        %parallel_loop3A_270 = tpu.bitcast %parallel_loop3A_269 : vector<16xi32> -> vector<16xf32>
        %parallel_loop3A_271 = vector.broadcast %scan3A_74 : i32 to vector<16xi32>
        %parallel_loop3A_272 = arith.andi %parallel_loop3A_258, %parallel_loop3A_271 : vector<16xi32>
        %parallel_loop3A_273 = tpu.bitcast %parallel_loop3A_272 : vector<16xi32> -> vector<16xf32>
        %parallel_loop3A_274 = arith.addf %parallel_loop3A_270, %parallel_loop3A_273 : vector<16xf32>
        %parallel_loop3A_275 = arith.constant 1 : i32
        %parallel_loop3A_276 = arith.index_cast %parallel_loop3A_275 : i32 to index
        %parallel_loop3A_277 = arith.index_cast %parallel_loop3A_240 : i32 to index
        %parallel_loop3A_278 = arith.constant 0 : index
        %parallel_loop3A_279 = tpu.vector_load %arg7[%parallel_loop3A_276, %parallel_loop3A_277, %parallel_loop3A_278] {strides = array<i32>} : memref<2x128x128xf32, #tpu.memory_space<vmem>>, vector<1x1x16xf32>,
        %parallel_loop3A_280 = vector.shape_cast %parallel_loop3A_279 : vector<1x1x16xf32> to vector<16xf32>
        %parallel_loop3A_281 = vector.shape_cast %parallel_loop3A_267 : vector<16xf32> to vector<1x1x16xf32>
        tpu.vector_store %arg7[%parallel_loop3A_276, %parallel_loop3A_277, %parallel_loop3A_278], %parallel_loop3A_281 {strides = array<i32>} : memref<2x128x128xf32, #tpu.memory_space<vmem>>, vector<1x1x16xf32>,
        %parallel_loop3A_282 = arith.constant 1 : i32
        %parallel_loop3A_283 = arith.index_cast %parallel_loop3A_282 : i32 to index
        %parallel_loop3A_284 = arith.index_cast %parallel_loop3A_240 : i32 to index
        %parallel_loop3A_285 = arith.constant 16 : index
        %parallel_loop3A_286 = tpu.vector_load %arg7[%parallel_loop3A_283, %parallel_loop3A_284, %parallel_loop3A_285] {strides = array<i32>} : memref<2x128x128xf32, #tpu.memory_space<vmem>>, vector<1x1x16xf32>,
        %parallel_loop3A_287 = vector.shape_cast %parallel_loop3A_286 : vector<1x1x16xf32> to vector<16xf32>
        %parallel_loop3A_288 = vector.shape_cast %parallel_loop3A_274 : vector<16xf32> to vector<1x1x16xf32>
        tpu.vector_store %arg7[%parallel_loop3A_283, %parallel_loop3A_284, %parallel_loop3A_285], %parallel_loop3A_288 {strides = array<i32>} : memref<2x128x128xf32, #tpu.memory_space<vmem>>, vector<1x1x16xf32>,
        %parallel_loop3A_289 = arith.constant 2 : i32
        %parallel_loop3A_290 = arith.muli %parallel_loop3A_289, %parallel_loop3A_240 : i32
        %parallel_loop3A_291 = arith.constant 1 : i32
        %parallel_loop3A_292 = arith.index_cast %parallel_loop3A_291 : i32 to index
        %parallel_loop3A_293 = arith.index_cast %parallel_loop3A_290 : i32 to index
        %parallel_loop3A_294 = arith.constant 16 : index
        %parallel_loop3A_295 = tpu.vector_load %arg6[%parallel_loop3A_292, %parallel_loop3A_293, %parallel_loop3A_294] {strides = array<i32>} : memref<2x256x64xi32, #tpu.memory_space<vmem>>, vector<1x1x16xi32>,
        %parallel_loop3A_296 = vector.shape_cast %parallel_loop3A_295 : vector<1x1x16xi32> to vector<16xi32>
        %parallel_loop3A_297 = arith.constant 2 : i32
        %parallel_loop3A_298 = arith.muli %parallel_loop3A_297, %parallel_loop3A_240 : i32
        %parallel_loop3A_299 = arith.constant 1 : i32
        %parallel_loop3A_300 = arith.addi %parallel_loop3A_298, %parallel_loop3A_299 : i32
        %parallel_loop3A_301 = arith.constant 1 : i32
        %parallel_loop3A_302 = arith.index_cast %parallel_loop3A_301 : i32 to index
        %parallel_loop3A_303 = arith.index_cast %parallel_loop3A_300 : i32 to index
        %parallel_loop3A_304 = arith.constant 16 : index
        %parallel_loop3A_305 = tpu.vector_load %arg6[%parallel_loop3A_302, %parallel_loop3A_303, %parallel_loop3A_304] {strides = array<i32>} : memref<2x256x64xi32, #tpu.memory_space<vmem>>, vector<1x1x16xi32>,
        %parallel_loop3A_306 = vector.shape_cast %parallel_loop3A_305 : vector<1x1x16xi32> to vector<16xi32>
        %parallel_loop3A_307 = arith.constant 16 : i32
        %parallel_loop3A_308 = vector.broadcast %parallel_loop3A_307 : i32 to vector<16xi32>
        %parallel_loop3A_309 = arith.shli %parallel_loop3A_296, %parallel_loop3A_308 : vector<16xi32>
        %parallel_loop3A_310 = tpu.bitcast %parallel_loop3A_309 : vector<16xi32> -> vector<16xf32>
        %parallel_loop3A_311 = arith.constant 16 : i32
        %parallel_loop3A_312 = vector.broadcast %parallel_loop3A_311 : i32 to vector<16xi32>
        %parallel_loop3A_313 = arith.shli %parallel_loop3A_306, %parallel_loop3A_312 : vector<16xi32>
        %parallel_loop3A_314 = tpu.bitcast %parallel_loop3A_313 : vector<16xi32> -> vector<16xf32>
        %parallel_loop3A_315 = arith.addf %parallel_loop3A_310, %parallel_loop3A_314 : vector<16xf32>
        %parallel_loop3A_316 = vector.broadcast %scan3A_74 : i32 to vector<16xi32>
        %parallel_loop3A_317 = arith.andi %parallel_loop3A_296, %parallel_loop3A_316 : vector<16xi32>
        %parallel_loop3A_318 = tpu.bitcast %parallel_loop3A_317 : vector<16xi32> -> vector<16xf32>
        %parallel_loop3A_319 = vector.broadcast %scan3A_74 : i32 to vector<16xi32>
        %parallel_loop3A_320 = arith.andi %parallel_loop3A_306, %parallel_loop3A_319 : vector<16xi32>
        %parallel_loop3A_321 = tpu.bitcast %parallel_loop3A_320 : vector<16xi32> -> vector<16xf32>
        %parallel_loop3A_322 = arith.addf %parallel_loop3A_318, %parallel_loop3A_321 : vector<16xf32>
        %parallel_loop3A_323 = arith.constant 1 : i32
        %parallel_loop3A_324 = arith.index_cast %parallel_loop3A_323 : i32 to index
        %parallel_loop3A_325 = arith.index_cast %parallel_loop3A_240 : i32 to index
        %parallel_loop3A_326 = arith.constant 32 : index
        %parallel_loop3A_327 = tpu.vector_load %arg7[%parallel_loop3A_324, %parallel_loop3A_325, %parallel_loop3A_326] {strides = array<i32>} : memref<2x128x128xf32, #tpu.memory_space<vmem>>, vector<1x1x16xf32>,
        %parallel_loop3A_328 = vector.shape_cast %parallel_loop3A_327 : vector<1x1x16xf32> to vector<16xf32>
        %parallel_loop3A_329 = vector.shape_cast %parallel_loop3A_315 : vector<16xf32> to vector<1x1x16xf32>
        tpu.vector_store %arg7[%parallel_loop3A_324, %parallel_loop3A_325, %parallel_loop3A_326], %parallel_loop3A_329 {strides = array<i32>} : memref<2x128x128xf32, #tpu.memory_space<vmem>>, vector<1x1x16xf32>,
        %parallel_loop3A_330 = arith.constant 1 : i32
        %parallel_loop3A_331 = arith.index_cast %parallel_loop3A_330 : i32 to index
        %parallel_loop3A_332 = arith.index_cast %parallel_loop3A_240 : i32 to index
        %parallel_loop3A_333 = arith.constant 48 : index
        %parallel_loop3A_334 = tpu.vector_load %arg7[%parallel_loop3A_331, %parallel_loop3A_332, %parallel_loop3A_333] {strides = array<i32>} : memref<2x128x128xf32, #tpu.memory_space<vmem>>, vector<1x1x16xf32>,
        %parallel_loop3A_335 = vector.shape_cast %parallel_loop3A_334 : vector<1x1x16xf32> to vector<16xf32>
        %parallel_loop3A_336 = vector.shape_cast %parallel_loop3A_322 : vector<16xf32> to vector<1x1x16xf32>
        tpu.vector_store %arg7[%parallel_loop3A_331, %parallel_loop3A_332, %parallel_loop3A_333], %parallel_loop3A_336 {strides = array<i32>} : memref<2x128x128xf32, #tpu.memory_space<vmem>>, vector<1x1x16xf32>,
        %parallel_loop3A_337 = arith.constant 2 : i32
        %parallel_loop3A_338 = arith.muli %parallel_loop3A_337, %parallel_loop3A_240 : i32
        %parallel_loop3A_339 = arith.constant 1 : i32
        %parallel_loop3A_340 = arith.index_cast %parallel_loop3A_339 : i32 to index
        %parallel_loop3A_341 = arith.index_cast %parallel_loop3A_338 : i32 to index
        %parallel_loop3A_342 = arith.constant 32 : index
        %parallel_loop3A_343 = tpu.vector_load %arg6[%parallel_loop3A_340, %parallel_loop3A_341, %parallel_loop3A_342] {strides = array<i32>} : memref<2x256x64xi32, #tpu.memory_space<vmem>>, vector<1x1x16xi32>,
        %parallel_loop3A_344 = vector.shape_cast %parallel_loop3A_343 : vector<1x1x16xi32> to vector<16xi32>
        %parallel_loop3A_345 = arith.constant 2 : i32
        %parallel_loop3A_346 = arith.muli %parallel_loop3A_345, %parallel_loop3A_240 : i32
        %parallel_loop3A_347 = arith.constant 1 : i32
        %parallel_loop3A_348 = arith.addi %parallel_loop3A_346, %parallel_loop3A_347 : i32
        %parallel_loop3A_349 = arith.constant 1 : i32
        %parallel_loop3A_350 = arith.index_cast %parallel_loop3A_349 : i32 to index
        %parallel_loop3A_351 = arith.index_cast %parallel_loop3A_348 : i32 to index
        %parallel_loop3A_352 = arith.constant 32 : index
        %parallel_loop3A_353 = tpu.vector_load %arg6[%parallel_loop3A_350, %parallel_loop3A_351, %parallel_loop3A_352] {strides = array<i32>} : memref<2x256x64xi32, #tpu.memory_space<vmem>>, vector<1x1x16xi32>,
        %parallel_loop3A_354 = vector.shape_cast %parallel_loop3A_353 : vector<1x1x16xi32> to vector<16xi32>
        %parallel_loop3A_355 = arith.constant 16 : i32
        %parallel_loop3A_356 = vector.broadcast %parallel_loop3A_355 : i32 to vector<16xi32>
        %parallel_loop3A_357 = arith.shli %parallel_loop3A_344, %parallel_loop3A_356 : vector<16xi32>
        %parallel_loop3A_358 = tpu.bitcast %parallel_loop3A_357 : vector<16xi32> -> vector<16xf32>
        %parallel_loop3A_359 = arith.constant 16 : i32
        %parallel_loop3A_360 = vector.broadcast %parallel_loop3A_359 : i32 to vector<16xi32>
        %parallel_loop3A_361 = arith.shli %parallel_loop3A_354, %parallel_loop3A_360 : vector<16xi32>
        %parallel_loop3A_362 = tpu.bitcast %parallel_loop3A_361 : vector<16xi32> -> vector<16xf32>
        %parallel_loop3A_363 = arith.addf %parallel_loop3A_358, %parallel_loop3A_362 : vector<16xf32>
        %parallel_loop3A_364 = vector.broadcast %scan3A_74 : i32 to vector<16xi32>
        %parallel_loop3A_365 = arith.andi %parallel_loop3A_344, %parallel_loop3A_364 : vector<16xi32>
        %parallel_loop3A_366 = tpu.bitcast %parallel_loop3A_365 : vector<16xi32> -> vector<16xf32>
        %parallel_loop3A_367 = vector.broadcast %scan3A_74 : i32 to vector<16xi32>
        %parallel_loop3A_368 = arith.andi %parallel_loop3A_354, %parallel_loop3A_367 : vector<16xi32>
        %parallel_loop3A_369 = tpu.bitcast %parallel_loop3A_368 : vector<16xi32> -> vector<16xf32>
        %parallel_loop3A_370 = arith.addf %parallel_loop3A_366, %parallel_loop3A_369 : vector<16xf32>
        %parallel_loop3A_371 = arith.constant 1 : i32
        %parallel_loop3A_372 = arith.index_cast %parallel_loop3A_371 : i32 to index
        %parallel_loop3A_373 = arith.index_cast %parallel_loop3A_240 : i32 to index
        %parallel_loop3A_374 = arith.constant 64 : index
        %parallel_loop3A_375 = tpu.vector_load %arg7[%parallel_loop3A_372, %parallel_loop3A_373, %parallel_loop3A_374] {strides = array<i32>} : memref<2x128x128xf32, #tpu.memory_space<vmem>>, vector<1x1x16xf32>,
        %parallel_loop3A_376 = vector.shape_cast %parallel_loop3A_375 : vector<1x1x16xf32> to vector<16xf32>
        %parallel_loop3A_377 = vector.shape_cast %parallel_loop3A_363 : vector<16xf32> to vector<1x1x16xf32>
        tpu.vector_store %arg7[%parallel_loop3A_372, %parallel_loop3A_373, %parallel_loop3A_374], %parallel_loop3A_377 {strides = array<i32>} : memref<2x128x128xf32, #tpu.memory_space<vmem>>, vector<1x1x16xf32>,
        %parallel_loop3A_378 = arith.constant 1 : i32
        %parallel_loop3A_379 = arith.index_cast %parallel_loop3A_378 : i32 to index
        %parallel_loop3A_380 = arith.index_cast %parallel_loop3A_240 : i32 to index
        %parallel_loop3A_381 = arith.constant 80 : index
        %parallel_loop3A_382 = tpu.vector_load %arg7[%parallel_loop3A_379, %parallel_loop3A_380, %parallel_loop3A_381] {strides = array<i32>} : memref<2x128x128xf32, #tpu.memory_space<vmem>>, vector<1x1x16xf32>,
        %parallel_loop3A_383 = vector.shape_cast %parallel_loop3A_382 : vector<1x1x16xf32> to vector<16xf32>
        %parallel_loop3A_384 = vector.shape_cast %parallel_loop3A_370 : vector<16xf32> to vector<1x1x16xf32>
        tpu.vector_store %arg7[%parallel_loop3A_379, %parallel_loop3A_380, %parallel_loop3A_381], %parallel_loop3A_384 {strides = array<i32>} : memref<2x128x128xf32, #tpu.memory_space<vmem>>, vector<1x1x16xf32>,
        %parallel_loop3A_385 = arith.constant 2 : i32
        %parallel_loop3A_386 = arith.muli %parallel_loop3A_385, %parallel_loop3A_240 : i32
        %parallel_loop3A_387 = arith.constant 1 : i32
        %parallel_loop3A_388 = arith.index_cast %parallel_loop3A_387 : i32 to index
        %parallel_loop3A_389 = arith.index_cast %parallel_loop3A_386 : i32 to index
        %parallel_loop3A_390 = arith.constant 48 : index
        %parallel_loop3A_391 = tpu.vector_load %arg6[%parallel_loop3A_388, %parallel_loop3A_389, %parallel_loop3A_390] {strides = array<i32>} : memref<2x256x64xi32, #tpu.memory_space<vmem>>, vector<1x1x16xi32>,
        %parallel_loop3A_392 = vector.shape_cast %parallel_loop3A_391 : vector<1x1x16xi32> to vector<16xi32>
        %parallel_loop3A_393 = arith.constant 2 : i32
        %parallel_loop3A_394 = arith.muli %parallel_loop3A_393, %parallel_loop3A_240 : i32
        %parallel_loop3A_395 = arith.constant 1 : i32
        %parallel_loop3A_396 = arith.addi %parallel_loop3A_394, %parallel_loop3A_395 : i32
        %parallel_loop3A_397 = arith.constant 1 : i32
        %parallel_loop3A_398 = arith.index_cast %parallel_loop3A_397 : i32 to index
        %parallel_loop3A_399 = arith.index_cast %parallel_loop3A_396 : i32 to index
        %parallel_loop3A_400 = arith.constant 48 : index
        %parallel_loop3A_401 = tpu.vector_load %arg6[%parallel_loop3A_398, %parallel_loop3A_399, %parallel_loop3A_400] {strides = array<i32>} : memref<2x256x64xi32, #tpu.memory_space<vmem>>, vector<1x1x16xi32>,
        %parallel_loop3A_402 = vector.shape_cast %parallel_loop3A_401 : vector<1x1x16xi32> to vector<16xi32>
        %parallel_loop3A_403 = arith.constant 16 : i32
        %parallel_loop3A_404 = vector.broadcast %parallel_loop3A_403 : i32 to vector<16xi32>
        %parallel_loop3A_405 = arith.shli %parallel_loop3A_392, %parallel_loop3A_404 : vector<16xi32>
        %parallel_loop3A_406 = tpu.bitcast %parallel_loop3A_405 : vector<16xi32> -> vector<16xf32>
        %parallel_loop3A_407 = arith.constant 16 : i32
        %parallel_loop3A_408 = vector.broadcast %parallel_loop3A_407 : i32 to vector<16xi32>
        %parallel_loop3A_409 = arith.shli %parallel_loop3A_402, %parallel_loop3A_408 : vector<16xi32>
        %parallel_loop3A_410 = tpu.bitcast %parallel_loop3A_409 : vector<16xi32> -> vector<16xf32>
        %parallel_loop3A_411 = arith.addf %parallel_loop3A_406, %parallel_loop3A_410 : vector<16xf32>
        %parallel_loop3A_412 = vector.broadcast %scan3A_74 : i32 to vector<16xi32>
        %parallel_loop3A_413 = arith.andi %parallel_loop3A_392, %parallel_loop3A_412 : vector<16xi32>
        %parallel_loop3A_414 = tpu.bitcast %parallel_loop3A_413 : vector<16xi32> -> vector<16xf32>
        %parallel_loop3A_415 = vector.broadcast %scan3A_74 : i32 to vector<16xi32>
        %parallel_loop3A_416 = arith.andi %parallel_loop3A_402, %parallel_loop3A_415 : vector<16xi32>
        %parallel_loop3A_417 = tpu.bitcast %parallel_loop3A_416 : vector<16xi32> -> vector<16xf32>
        %parallel_loop3A_418 = arith.addf %parallel_loop3A_414, %parallel_loop3A_417 : vector<16xf32>
        %parallel_loop3A_419 = arith.constant 1 : i32
        %parallel_loop3A_420 = arith.index_cast %parallel_loop3A_419 : i32 to index
        %parallel_loop3A_421 = arith.index_cast %parallel_loop3A_240 : i32 to index
        %parallel_loop3A_422 = arith.constant 96 : index
        %parallel_loop3A_423 = tpu.vector_load %arg7[%parallel_loop3A_420, %parallel_loop3A_421, %parallel_loop3A_422] {strides = array<i32>} : memref<2x128x128xf32, #tpu.memory_space<vmem>>, vector<1x1x16xf32>,
        %parallel_loop3A_424 = vector.shape_cast %parallel_loop3A_423 : vector<1x1x16xf32> to vector<16xf32>
        %parallel_loop3A_425 = vector.shape_cast %parallel_loop3A_411 : vector<16xf32> to vector<1x1x16xf32>
        tpu.vector_store %arg7[%parallel_loop3A_420, %parallel_loop3A_421, %parallel_loop3A_422], %parallel_loop3A_425 {strides = array<i32>} : memref<2x128x128xf32, #tpu.memory_space<vmem>>, vector<1x1x16xf32>,
        %parallel_loop3A_426 = arith.constant 1 : i32
        %parallel_loop3A_427 = arith.index_cast %parallel_loop3A_426 : i32 to index
        %parallel_loop3A_428 = arith.index_cast %parallel_loop3A_240 : i32 to index
        %parallel_loop3A_429 = arith.constant 112 : index
        %parallel_loop3A_430 = tpu.vector_load %arg7[%parallel_loop3A_427, %parallel_loop3A_428, %parallel_loop3A_429] {strides = array<i32>} : memref<2x128x128xf32, #tpu.memory_space<vmem>>, vector<1x1x16xf32>,
        %parallel_loop3A_431 = vector.shape_cast %parallel_loop3A_430 : vector<1x1x16xf32> to vector<16xf32>
        %parallel_loop3A_432 = vector.shape_cast %parallel_loop3A_418 : vector<16xf32> to vector<1x1x16xf32>
        tpu.vector_store %arg7[%parallel_loop3A_427, %parallel_loop3A_428, %parallel_loop3A_429], %parallel_loop3A_432 {strides = array<i32>} : memref<2x128x128xf32, #tpu.memory_space<vmem>>, vector<1x1x16xf32>,
      } {sc.loop_unroll_factor = 4 : i64, sc.parallel_access}
      %mul3A_215 = arith.constant 2048 : i32
      %mul3A_216 = arith.muli %add3A, %mul3A_215 : i32
      %mul3A_217 = arith.constant 128 : i32
      %mul3A_218 = arith.muli %add3A_176, %mul3A_217 : i32
      %add3A_219 = arith.addi %mul3A_216, %mul3A_218 : i32
      %dma_start3A_220 = arith.constant 1 : i32
      %dma_start3A_221 = arith.constant 0 : i32
      %dma_start3A_222 = arith.constant 0 : i32
      %dma_start3A_223 = tpu.memref_slice %arg7[%dma_start3A_220, %dma_start3A_221, %dma_start3A_222] : memref<2x128x128xf32, #tpu.memory_space<vmem>> -> memref<1x128x128xf32, #tpu.memory_space<vmem>>
      %dma_start3A_224 = tpu.memref_squeeze %dma_start3A_223 : memref<1x128x128xf32, #tpu.memory_space<vmem>> -> memref<128x128xf32, #tpu.memory_space<vmem>>
      %dma_start3A_225 = arith.constant 0 : i32
      %dma_start3A_226 = tpu.memref_slice %arg4[%add3A_219, %dma_start3A_225] : memref<65536x128xf32, #tpu.memory_space<hbm>> -> memref<128x128xf32, #tpu.memory_space<hbm>>
      %dma_start3A_227 = arith.constant 0 : i32
      %dma_start3A_228 = tpu.memref_slice %arg4[%add3A_219, %dma_start3A_227] : memref<65536x128xf32, #tpu.memory_space<hbm>> -> memref<128x128xf32, #tpu.memory_space<hbm>>
      %dma_start3A_229 = arith.constant 0 : i32
      %dma_start3A_230 = arith.constant 0 : i32
      %dma_start3A_231 = tpu.memref_slice %arg7[%dma_start3A_220, %dma_start3A_229, %dma_start3A_230] : memref<2x128x128xf32, #tpu.memory_space<vmem>> -> memref<1x128x128xf32, #tpu.memory_space<vmem>>
      %dma_start3A_232 = tpu.memref_squeeze %dma_start3A_231 : memref<1x128x128xf32, #tpu.memory_space<vmem>> -> memref<128x128xf32, #tpu.memory_space<vmem>>
      tpu.enqueue_dma source(%dma_start3A_232 : memref<128x128xf32, #tpu.memory_space<vmem>>) target(%dma_start3A_228 : memref<128x128xf32, #tpu.memory_space<hbm>>) target_semaphore(%arg11 : memref<!tpu.dma_semaphore, #tpu.memory_space<semaphore_mem>>)
      %add3A_233 = arith.constant 2 : i32
      %add3A_234 = arith.addi %add3A_176, %add3A_233 : i32
      %lt3A_235 = arith.constant 16 : i32
      %lt3A_236 = arith.cmpi slt, %add3A_234, %lt3A_235 : i32
      %convert_element_type3A_237 = arith.extui %lt3A_236 : i1 to i32
      %cond3A_238 = arith.constant 0 : i32
      %cond3A_239 = arith.cmpi ne, %convert_element_type3A_237, %cond3A_238 : i32
      scf.if %cond3A_239 {
        %add3A_240 = arith.constant 2 : i32
        %add3A_241 = arith.addi %add3A_176, %add3A_240 : i32
        %mul3A_242 = arith.constant 2 : i32
        %mul3A_243 = arith.muli %add3A_241, %mul3A_242 : i32
        %add3A_244 = arith.constant 0 : i32
        %add3A_245 = arith.addi %mul3A_243, %add3A_244 : i32
        %dma_start3A_246 = arith.constant 1 : i32
        %dma_start3A_247 = arith.constant 0 : i32
        %dma_start3A_248 = arith.constant 0 : i32
        %dma_start3A_249 = tpu.memref_slice %arg6[%dma_start3A_246, %dma_start3A_247, %dma_start3A_248] : memref<2x256x64xi32, #tpu.memory_space<vmem>> -> memref<1x128x64xi32, #tpu.memory_space<vmem>>
        %dma_start3A_250 = tpu.memref_squeeze %dma_start3A_249 : memref<1x128x64xi32, #tpu.memory_space<vmem>> -> memref<128x64xi32, #tpu.memory_space<vmem>>
        %dma_start3A_251 = arith.constant 0 : i32
        %dma_start3A_252 = tpu.memref_slice %arg5[%add3A_245, %dma_start3A_251] : memref<32x128xi32, #tpu.memory_space<vmem>> -> memref<1x128xi32, #tpu.memory_space<vmem>>
        %dma_start3A_253 = tpu.memref_squeeze %dma_start3A_252 : memref<1x128xi32, #tpu.memory_space<vmem>> -> memref<128xi32, #tpu.memory_space<vmem>>
        %dma_start3A_254 = arith.constant 0 : i32
        %dma_start3A_255 = arith.constant 0 : i32
        %dma_start3A_256 = tpu.memref_slice %arg3[%dma_start3A_254, %dma_start3A_255] : memref<2048x64xi32, #tpu.memory_space<hbm>> -> memref<2048x64xi32, #tpu.memory_space<hbm>>
        tpu.enqueue_indirect_dma source(%dma_start3A_256 : memref<2048x64xi32, #tpu.memory_space<hbm>>) target(%dma_start3A_250 : memref<128x64xi32, #tpu.memory_space<vmem>>) offsets(%dma_start3A_253 : memref<128xi32, #tpu.memory_space<vmem>>) semaphore(%arg9 : memref<!tpu.dma_semaphore, #tpu.memory_space<semaphore_mem>>)
        %mul3A_257 = arith.constant 2 : i32
        %mul3A_258 = arith.muli %add3A_241, %mul3A_257 : i32
        %add3A_259 = arith.constant 1 : i32
        %add3A_260 = arith.addi %mul3A_258, %add3A_259 : i32
        %dma_start3A_261 = arith.constant 1 : i32
        %dma_start3A_262 = arith.constant 128 : i32
        %dma_start3A_263 = arith.constant 0 : i32
        %dma_start3A_264 = tpu.memref_slice %arg6[%dma_start3A_261, %dma_start3A_262, %dma_start3A_263] : memref<2x256x64xi32, #tpu.memory_space<vmem>> -> memref<1x128x64xi32, #tpu.memory_space<vmem>>
        %dma_start3A_265 = tpu.memref_squeeze %dma_start3A_264 : memref<1x128x64xi32, #tpu.memory_space<vmem>> -> memref<128x64xi32, #tpu.memory_space<vmem>>
        %dma_start3A_266 = arith.constant 0 : i32
        %dma_start3A_267 = tpu.memref_slice %arg5[%add3A_260, %dma_start3A_266] : memref<32x128xi32, #tpu.memory_space<vmem>> -> memref<1x128xi32, #tpu.memory_space<vmem>>
        %dma_start3A_268 = tpu.memref_squeeze %dma_start3A_267 : memref<1x128xi32, #tpu.memory_space<vmem>> -> memref<128xi32, #tpu.memory_space<vmem>>
        %dma_start3A_269 = arith.constant 0 : i32
        %dma_start3A_270 = arith.constant 0 : i32
        %dma_start3A_271 = tpu.memref_slice %arg3[%dma_start3A_269, %dma_start3A_270] : memref<2048x64xi32, #tpu.memory_space<hbm>> -> memref<2048x64xi32, #tpu.memory_space<hbm>>
        tpu.enqueue_indirect_dma source(%dma_start3A_271 : memref<2048x64xi32, #tpu.memory_space<hbm>>) target(%dma_start3A_265 : memref<128x64xi32, #tpu.memory_space<vmem>>) offsets(%dma_start3A_268 : memref<128xi32, #tpu.memory_space<vmem>>) semaphore(%arg9 : memref<!tpu.dma_semaphore, #tpu.memory_space<semaphore_mem>>)
      } else {
      }
    }
    %scan3A_79 = arith.constant 8 : i32
    %dma_wait3A = arith.constant 0 : i32
    %dma_wait3A_80 = arith.constant 0 : i32
    %dma_wait3A_81 = arith.constant 0 : i32
    %dma_wait3A_82 = tpu.memref_slice %arg7[%dma_wait3A, %dma_wait3A_80, %dma_wait3A_81] : memref<2x128x128xf32, #tpu.memory_space<vmem>> -> memref<1x128x128xf32, #tpu.memory_space<vmem>>
    %dma_wait3A_83 = tpu.memref_squeeze %dma_wait3A_82 : memref<1x128x128xf32, #tpu.memory_space<vmem>> -> memref<128x128xf32, #tpu.memory_space<vmem>>
    %dma_wait3A_84 = arith.constant 0 : i32
    %dma_wait3A_85 = arith.constant 0 : i32
    %dma_wait3A_86 = tpu.memref_slice %arg4[%dma_wait3A_84, %dma_wait3A_85] : memref<65536x128xf32, #tpu.memory_space<hbm>> -> memref<128x128xf32, #tpu.memory_space<hbm>>
    %dma_wait3A_87 = arith.constant 0 : i32
    %dma_wait3A_88 = arith.constant 0 : i32
    %dma_wait3A_89 = tpu.memref_slice %arg4[%dma_wait3A_87, %dma_wait3A_88] : memref<65536x128xf32, #tpu.memory_space<hbm>> -> memref<128x128xf32, #tpu.memory_space<hbm>>
    %dma_wait3A_90 = arith.constant 0 : i32
    %dma_wait3A_91 = arith.constant 0 : i32
    %dma_wait3A_92 = tpu.memref_slice %arg7[%dma_wait3A, %dma_wait3A_90, %dma_wait3A_91] : memref<2x128x128xf32, #tpu.memory_space<vmem>> -> memref<1x128x128xf32, #tpu.memory_space<vmem>>
    %dma_wait3A_93 = tpu.memref_squeeze %dma_wait3A_92 : memref<1x128x128xf32, #tpu.memory_space<vmem>> -> memref<128x128xf32, #tpu.memory_space<vmem>>
    tpu.wait_dma2 semaphore(%arg10 : memref<!tpu.dma_semaphore, #tpu.memory_space<semaphore_mem>>) src(%dma_wait3A_93 : memref<128x128xf32, #tpu.memory_space<vmem>>) dst(%dma_wait3A_89 : memref<128x128xf32, #tpu.memory_space<hbm>>)
    %dma_wait3A_94 = arith.constant 1 : i32
    %dma_wait3A_95 = arith.constant 0 : i32
    %dma_wait3A_96 = arith.constant 0 : i32
    %dma_wait3A_97 = tpu.memref_slice %arg7[%dma_wait3A_94, %dma_wait3A_95, %dma_wait3A_96] : memref<2x128x128xf32, #tpu.memory_space<vmem>> -> memref<1x128x128xf32, #tpu.memory_space<vmem>>
    %dma_wait3A_98 = tpu.memref_squeeze %dma_wait3A_97 : memref<1x128x128xf32, #tpu.memory_space<vmem>> -> memref<128x128xf32, #tpu.memory_space<vmem>>
    %dma_wait3A_99 = arith.constant 0 : i32
    %dma_wait3A_100 = arith.constant 0 : i32
    %dma_wait3A_101 = tpu.memref_slice %arg4[%dma_wait3A_99, %dma_wait3A_100] : memref<65536x128xf32, #tpu.memory_space<hbm>> -> memref<128x128xf32, #tpu.memory_space<hbm>>
    %dma_wait3A_102 = arith.constant 0 : i32
    %dma_wait3A_103 = arith.constant 0 : i32
    %dma_wait3A_104 = tpu.memref_slice %arg4[%dma_wait3A_102, %dma_wait3A_103] : memref<65536x128xf32, #tpu.memory_space<hbm>> -> memref<128x128xf32, #tpu.memory_space<hbm>>
    %dma_wait3A_105 = arith.constant 0 : i32
    %dma_wait3A_106 = arith.constant 0 : i32
    %dma_wait3A_107 = tpu.memref_slice %arg7[%dma_wait3A_94, %dma_wait3A_105, %dma_wait3A_106] : memref<2x128x128xf32, #tpu.memory_space<vmem>> -> memref<1x128x128xf32, #tpu.memory_space<vmem>>
    %dma_wait3A_108 = tpu.memref_squeeze %dma_wait3A_107 : memref<1x128x128xf32, #tpu.memory_space<vmem>> -> memref<128x128xf32, #tpu.memory_space<vmem>>
    tpu.wait_dma2 semaphore(%arg11 : memref<!tpu.dma_semaphore, #tpu.memory_space<semaphore_mem>>) src(%dma_wait3A_108 : memref<128x128xf32, #tpu.memory_space<vmem>>) dst(%dma_wait3A_104 : memref<128x128xf32, #tpu.memory_space<hbm>>)
    return
  }
}

module attributes {stable_mosaic.version = 14 : i64} {
  func.func @_proj_body(%arg0: memref<2048x512xf32, #tpu.memory_space<vmem>>, %arg1: memref<512x128xf32, #tpu.memory_space<vmem>>, %arg2: memref<2048x128xbf16, #tpu.memory_space<vmem>>) attributes {dimension_semantics = [], scalar_prefetch = 0 : i64, scratch_operands = 0 : i64, tpu.core_type = #tpu.core_type<tc>} {
    %get3A = arith.constant 0 : index
    %get3A_0 = arith.constant 0 : index
    %get3A_1 = vector.load %arg0[%get3A, %get3A_0] : memref<2048x512xf32, #tpu.memory_space<vmem>>, vector<2048x512xf32>
    %get3A_2 = arith.constant 0 : index
    %get3A_3 = arith.constant 0 : index
    %get3A_4 = vector.load %arg1[%get3A_2, %get3A_3] : memref<512x128xf32, #tpu.memory_space<vmem>>, vector<512x128xf32>
    %dot_general3A = arith.constant dense<0.000000e+00> : vector<2048x128xf32>
    %dot_general3A_5 = tpu.matmul %get3A_1, %get3A_4, %dot_general3A {dimension_numbers = #tpu.dot_dimension_numbers<[1], [0], [0], [1], [0, 0, 1, 1], [], []>, transpose_lhs_hint = false} : vector<2048x512xf32>, vector<512x128xf32>, vector<2048x128xf32> -> vector<2048x128xf32>
    %convert_element_type3A = arith.truncf %dot_general3A_5 : vector<2048x128xf32> to vector<2048x128xbf16>
    %swap3A = arith.constant 0 : index
    %swap3A_6 = arith.constant 0 : index
    %swap3A_7 = vector.load %arg2[%swap3A, %swap3A_6] : memref<2048x128xbf16, #tpu.memory_space<vmem>>, vector<2048x128xbf16>
    tpu.vector_store %arg2[%swap3A, %swap3A_6], %convert_element_type3A {strides = array<i32>} : memref<2048x128xbf16, #tpu.memory_space<vmem>>, vector<2048x128xbf16>,
    return
  }
}

module attributes {stable_mosaic.version = 14 : i64} {
  func.func @_mlp_body(%arg0: i32, %arg1: memref<2048x128xf32, #tpu.memory_space<vmem>>, %arg2: memref<1x128xf32, #tpu.memory_space<vmem>>, %arg3: memref<128x128xf32, #tpu.memory_space<vmem>>, %arg4: memref<1x128xf32, #tpu.memory_space<vmem>>, %arg5: memref<128x7xf32, #tpu.memory_space<vmem>>, %arg6: memref<1x7xf32, #tpu.memory_space<vmem>>, %arg7: memref<2048x7xf32, #tpu.memory_space<vmem>>) attributes {dimension_semantics = [#tpu.dimension_semantics<arbitrary>], iteration_bounds = array<i64: 32>, scalar_prefetch = 0 : i64, scratch_operands = 0 : i64, tpu.core_type = #tpu.core_type<tc>, window_params = [{transform_indices = @transform_0, window_bounds = array<i64: 2048, 128>}, {pipeline_mode = #tpu.pipeline_mode<synchronous>, transform_indices = @transform_1, window_bounds = array<i64: 1, 128>}, {pipeline_mode = #tpu.pipeline_mode<synchronous>, transform_indices = @transform_2, window_bounds = array<i64: 128, 128>}, {pipeline_mode = #tpu.pipeline_mode<synchronous>, transform_indices = @transform_3, window_bounds = array<i64: 1, 128>}, {pipeline_mode = #tpu.pipeline_mode<synchronous>, transform_indices = @transform_4, window_bounds = array<i64: 128, 7>}, {pipeline_mode = #tpu.pipeline_mode<synchronous>, transform_indices = @transform_5, window_bounds = array<i64: 1, 7>}, {transform_indices = @transform_6, window_bounds = array<i64: 2048, 7>}]} {
    %get3A = arith.constant 0 : index
    %get3A_0 = arith.constant 0 : index
    %get3A_1 = vector.load %arg1[%get3A, %get3A_0] : memref<2048x128xf32, #tpu.memory_space<vmem>>, vector<2048x128xf32>
    %get3A_2 = arith.constant 0 : index
    %get3A_3 = arith.constant 0 : index
    %get3A_4 = vector.load %arg2[%get3A_2, %get3A_3] : memref<1x128xf32, #tpu.memory_space<vmem>>, vector<1x128xf32>
    %add3A = vector.broadcast %get3A_4 : vector<1x128xf32> to vector<2048x128xf32>
    %add3A_5 = arith.addf %get3A_1, %add3A : vector<2048x128xf32>
    %max3A = arith.constant 0.000000e+00 : f32
    %max3A_6 = vector.broadcast %max3A : f32 to vector<2048x128xf32>
    %max3A_7 = arith.maximumf %add3A_5, %max3A_6 : vector<2048x128xf32>
    %get3A_8 = arith.constant 0 : index
    %get3A_9 = arith.constant 0 : index
    %get3A_10 = vector.load %arg3[%get3A_8, %get3A_9] : memref<128x128xf32, #tpu.memory_space<vmem>>, vector<128x128xf32>
    %dot_general3A = arith.constant dense<0.000000e+00> : vector<2048x128xf32>
    %dot_general3A_11 = tpu.matmul %max3A_7, %get3A_10, %dot_general3A {dimension_numbers = #tpu.dot_dimension_numbers<[1], [0], [0], [1], [0, 0, 1, 1], [], []>, transpose_lhs_hint = false} : vector<2048x128xf32>, vector<128x128xf32>, vector<2048x128xf32> -> vector<2048x128xf32>
    %get3A_12 = arith.constant 0 : index
    %get3A_13 = arith.constant 0 : index
    %get3A_14 = vector.load %arg4[%get3A_12, %get3A_13] : memref<1x128xf32, #tpu.memory_space<vmem>>, vector<1x128xf32>
    %add3A_15 = vector.broadcast %get3A_14 : vector<1x128xf32> to vector<2048x128xf32>
    %add3A_16 = arith.addf %dot_general3A_11, %add3A_15 : vector<2048x128xf32>
    %max3A_17 = arith.constant 0.000000e+00 : f32
    %max3A_18 = vector.broadcast %max3A_17 : f32 to vector<2048x128xf32>
    %max3A_19 = arith.maximumf %add3A_16, %max3A_18 : vector<2048x128xf32>
    %get3A_20 = arith.constant 0 : index
    %get3A_21 = arith.constant 0 : index
    %get3A_22 = vector.load %arg5[%get3A_20, %get3A_21] : memref<128x7xf32, #tpu.memory_space<vmem>>, vector<128x7xf32>
    %dot_general3A_23 = arith.constant dense<0.000000e+00> : vector<2048x7xf32>
    %dot_general3A_24 = tpu.matmul %max3A_19, %get3A_22, %dot_general3A_23 {dimension_numbers = #tpu.dot_dimension_numbers<[1], [0], [0], [1], [0, 0, 1, 1], [], []>, transpose_lhs_hint = false} : vector<2048x128xf32>, vector<128x7xf32>, vector<2048x7xf32> -> vector<2048x7xf32>
    %get3A_25 = arith.constant 0 : index
    %get3A_26 = arith.constant 0 : index
    %get3A_27 = vector.load %arg6[%get3A_25, %get3A_26] : memref<1x7xf32, #tpu.memory_space<vmem>>, vector<1x7xf32>
    %add3A_28 = vector.broadcast %get3A_27 : vector<1x7xf32> to vector<2048x7xf32>
    %add3A_29 = arith.addf %dot_general3A_24, %add3A_28 : vector<2048x7xf32>
    %swap3A = arith.constant 0 : index
    %swap3A_30 = arith.constant 0 : index
    %swap3A_31 = vector.load %arg7[%swap3A, %swap3A_30] : memref<2048x7xf32, #tpu.memory_space<vmem>>, vector<2048x7xf32>
    tpu.vector_store %arg7[%swap3A, %swap3A_30], %add3A_29 {strides = array<i32>} : memref<2048x7xf32, #tpu.memory_space<vmem>>, vector<2048x7xf32>,
    return
  }
  func.func @transform_0(%arg0: i32) -> (i32, i32) {
    %c0_i32 = arith.constant 0 : i32
    %c0_i32_0 = arith.constant 0 : i32
    return %arg0, %c0_i32 : i32, i32
  }
  func.func @transform_1(%arg0: i32) -> (i32, i32) {
    %c0_i32 = arith.constant 0 : i32
    %c0_i32_0 = arith.constant 0 : i32
    %c0_i32_1 = arith.constant 0 : i32
    return %c0_i32, %c0_i32_0 : i32, i32
  }
  func.func @transform_2(%arg0: i32) -> (i32, i32) {
    %c0_i32 = arith.constant 0 : i32
    %c0_i32_0 = arith.constant 0 : i32
    %c0_i32_1 = arith.constant 0 : i32
    return %c0_i32, %c0_i32_0 : i32, i32
  }
  func.func @transform_3(%arg0: i32) -> (i32, i32) {
    %c0_i32 = arith.constant 0 : i32
    %c0_i32_0 = arith.constant 0 : i32
    %c0_i32_1 = arith.constant 0 : i32
    return %c0_i32, %c0_i32_0 : i32, i32
  }
  func.func @transform_4(%arg0: i32) -> (i32, i32) {
    %c0_i32 = arith.constant 0 : i32
    %c0_i32_0 = arith.constant 0 : i32
    %c0_i32_1 = arith.constant 0 : i32
    return %c0_i32, %c0_i32_0 : i32, i32
  }
  func.func @transform_5(%arg0: i32) -> (i32, i32) {
    %c0_i32 = arith.constant 0 : i32
    %c0_i32_0 = arith.constant 0 : i32
    %c0_i32_1 = arith.constant 0 : i32
    return %c0_i32, %c0_i32_0 : i32, i32
  }
  func.func @transform_6(%arg0: i32) -> (i32, i32) {
    %c0_i32 = arith.constant 0 : i32
    %c0_i32_0 = arith.constant 0 : i32
    return %arg0, %c0_i32 : i32, i32
  }
}

</mosaic_0001>

<sc_bundles>
// kernel: kernel.5.cloned.1.call-start
scs
__scs_entry_jumppad:
0x0: {  	(pc) =	sbr.rel $0x88, $3  }
0x1: {  	(tag) =	ssettag $0x0;
	lr =	simm.s32 $0x1  }
0x2: {  	[smem:$0x3F99] =	sst lr;
	_ =	strace $0xD0000000  }
0x3: {  	_ = 	snop  }
0x4: {  	_ = 	snop  }
0x5: {  	_ = 	snop  }
0x6: {  	_ = 	snop  }
0x7: {  	_ = 	snop  }
__scs_overlays_trampoline_lowered:
0x8: {  	[smem:$0x3FA8] =	sst s0  }
0x9: {  	[smem:$0x3FA9] =	sst s1  }
0xa: {  	[smem:$0x3FAA] =	sst s2  }
0xb: {  	[smem:$0x3FAB] =	sst s3  }
0xc: {  	[smem:$0x3FAC] =	sst s4  }
0xd: {  	[smem:$0x3FAD] =	sst s5  }
0xe: {  	[smem:$0x3FAE] =	sst s6  }
0xf: {  	[smem:$0x3FAF] =	sst s7  }
0x10: {  	[smem:$0x3FB0] =	sst s8  }
0x11: {  	[smem:$0x3FB1] =	sst s9;
	s0 =	simm.s32 @!p0 $0x0  }
0x12: {  	s1 =	sld [smem:$0x3F97];
	s0 =	simm.s32 @p0 $0x1  }
0x13: {  	[smem:$0x3FB2] =	sst s0;
	s0 =	simm.s32 @!p1 $0x0  }
0x14: {  	s2 =	sld [smem:$0x3F96];
	s0 =	simm.s32 @p1 $0x1  }
0x15: {  	[smem:$0x3FB3] =	sst s0;
	s0 =	simm.s32 @!p2 $0x0  }
0x16: {  	s3 =	sld [smem:$0x3FDB];
	s0 =	simm.s32 @p2 $0x1  }
0x17: {  	s4 =	simm.s32 $0x1BF5;
	[smem:$0x3FB5] =	sst s0  }
0x18: {  	s0 =	sld [smem:$0x3F98];
	_ =	swait.ge [sflag:s4], $0x0  }
0x19: {  	s7 =	sld [smem:$0x3F99]  }
0x1a: {  	s8 =	sadd.s32 $0xFFFFE003, lr  }
0x1b: {  	s9 =	sadd.s32 $0xFFFFFEF7, lr;
	s5 =	simm.s32 $0xFFFFFFFF;
	p2 =	slt.u32 s8, $0xFFFFF086  }
0x1c: {  	p1 =	slt.u32 s9, $0xF7A;
	s5 =	simm.s32 @!p2 $0x0  }
0x1d: {  	s5 =	simm.s32 @p1 $0x1;
	p0 =	seq.s32 s7, s2  }
0x1e: {  	s7 =	smul.u32 @!p0 $0xF7A, s2;
	p2 =	seq.s32 @!p0 s5, $0x0  }
0x1f: {  	s9 =	smul.u32 $0xF7A, s1;
	s8 =	simm.s32 @!p0 $0x1BF5;
	p2 =	por !p2, p0  }
0x20: {  	[sflag:s8] =	ssyncset.s32 @!p0 $0xFFFFF086;
	s6 =	sadd.s32 @!p0 s3, s7;
	s7 =	simm.s32 @!p0 $0x108  }
0x21: {  	s3 =	sadd.s32 s3, s9;
	s6 =	sadd.s32 @!p0 $0x88, s6;
	s7 =	simm.s32 @p2 $0x1082  }
0x22: {  	[simem:s7], [sflag:s8] =	dma.local @!p0 [hbm:s6], $0xF7A  }
0x23: {  	s9 =	sor.u32 $0xD0000000, s2;
	s6 =	simm.s32 $0x108;
	_ =	swait.ge @!p0 [sflag:s8], $0x0  }
0x24: {  	s3 =	sadd.s32 $0x88, s3;
	s6 =	simm.s32 @!p1 $0x1082;
	[sflag:s4] =	ssyncset.s32 $0xFFFFF086  }
0x25: {  	[simem:s6], [sflag:s4] =	dma.local [hbm:s3], $0xF7A  }
0x26: {  	[smem:$0x3F99] =	sst s1;
	(tag) =	ssettag s2;
	_ =	strace s9  }
0x27: {  	s1 =	sld [smem:$0x3FA9]  }
0x28: {  	s2 =	sld [smem:$0x3FAA]  }
0x29: {  	s4 =	sld [smem:$0x3FAC]  }
0x2a: {  	p0 =	seq.s32 s5, $0x0;
	s5 =	sld [smem:$0x3FAD]  }
0x2b: {  	s6 =	sld [smem:$0x3FAE]  }
0x2c: {  	s7 =	sld [smem:$0x3FAF]  }
0x2d: {  	s3 =	simm.s32 $0x108;
	s8 =	sld [smem:$0x3FB0]  }
0x2e: {  	s3 =	simm.s32 @!p0 $0x1082;
	s9 =	sld [smem:$0x3FB1]  }
0x2f: {  	lr =	sadd.s32 s0, s3;
	s0 =	sld [smem:$0x3FA8]  }
0x30: {  	s3 =	sld [smem:$0x3FAB]  }
0x31: {  	[smem:$0x3FB4] =	sst s10  }
0x32: {  	s10 =	sld [smem:$0x3FB2];
	_ =	sdelay $0x3  }
0x33: {  	p0 =	seq.s32 s10, $0x1;
	s10 =	sld [smem:$0x3FB4];
	_ =	sdelay $0x3  }
0x34: {  	[smem:$0x3FB4] =	sst s10  }
0x35: {  	s10 =	sld [smem:$0x3FB3];
	_ =	sdelay $0x3  }
0x36: {  	p1 =	seq.s32 s10, $0x1;
	s10 =	sld [smem:$0x3FB4];
	_ =	sdelay $0x3  }
0x37: {  	[smem:$0x3FB4] =	sst s10  }
0x38: {  	s10 =	sld [smem:$0x3FB5]  }
0x39: {  	_ = 	snop;
	(pc) =	sbr.ind lr, $3  }
0x3a: {  	_ = 	snop  }
0x3b: {  	_ = 	snop  }
0x3c: {  	p2 =	seq.s32 s10, $0x1;
	s10 =	sld [smem:$0x3FB4]  }
0x3d: {  	_ =	shalt  }
0x3e: {  	_ =	shalt  }
0x3f: {  	_ =	shalt  }
0x40: {  	_ =	shalt  }
0x41: {  	_ =	shalt  }
0x42: {  	_ =	shalt  }
0x43: {  	_ =	shalt  }
0x44: {  	_ =	shalt  }
0x45: {  	_ =	shalt  }
0x46: {  	_ =	shalt  }
0x47: {  	_ =	shalt  }
0x48: {  	_ =	shalt  }
0x49: {  	_ =	shalt  }
0x4a: {  	_ =	shalt  }
0x4b: {  	_ =	shalt  }
0x4c: {  	_ =	shalt  }
0x4d: {  	_ =	shalt  }
0x4e: {  	_ =	shalt  }
0x4f: {  	_ =	shalt  }
0x50: {  	_ =	shalt  }
0x51: {  	_ =	shalt  }
0x52: {  	_ =	shalt  }
0x53: {  	_ =	shalt  }
0x54: {  	_ =	shalt  }
0x55: {  	_ =	shalt  }
0x56: {  	_ =	shalt  }
0x57: {  	_ =	shalt  }
0x58: {  	_ =	shalt  }
0x59: {  	_ =	shalt  }
0x5a: {  	_ =	shalt  }
0x5b: {  	_ =	shalt  }
0x5c: {  	_ =	shalt  }
0x5d: {  	_ =	shalt  }
0x5e: {  	_ =	shalt  }
0x5f: {  	_ =	shalt  }
0x60: {  	_ =	shalt  }
0x61: {  	_ =	shalt  }
0x62: {  	_ =	shalt  }
0x63: {  	_ =	shalt  }
0x64: {  	_ =	shalt  }
0x65: {  	_ =	shalt  }
0x66: {  	_ =	shalt  }
0x67: {  	_ =	shalt  }
0x68: {  	_ =	shalt  }
0x69: {  	_ =	shalt  }
0x6a: {  	_ =	shalt  }
0x6b: {  	_ =	shalt  }
0x6c: {  	_ =	shalt  }
0x6d: {  	_ =	shalt  }
0x6e: {  	_ =	shalt  }
0x6f: {  	_ =	shalt  }
0x70: {  	_ =	shalt  }
0x71: {  	_ =	shalt  }
0x72: {  	_ =	shalt  }
0x73: {  	_ =	shalt  }
0x74: {  	_ =	shalt  }
0x75: {  	_ =	shalt  }
0x76: {  	_ =	shalt  }
0x77: {  	_ =	shalt  }
0x78: {  	_ =	shalt  }
0x79: {  	_ =	shalt  }
0x7a: {  	_ =	shalt  }
0x7b: {  	_ =	shalt  }
0x7c: {  	_ =	shalt  }
0x7d: {  	_ =	shalt  }
0x7e: {  	_ =	shalt  }
0x7f: {  	_ =	shalt  }
0x80: {  	_ =	shalt  }
0x81: {  	_ =	shalt  }
0x82: {  	_ =	shalt  }
0x83: {  	_ =	shalt  }
0x84: {  	_ =	shalt  }
0x85: {  	_ =	shalt  }
0x86: {  	_ =	shalt  }
0x87: {  	_ =	shalt  }
.Lfunc_end0:
.L_simem_size_0:
called_computation_lowered:
.L_overlay_start_0:
0x88: {  	s2 =	sld [smem:$0x3FD9]  }
0x89: {  	s3 =	sld [smem:$0x3FFE];
	_ =	sdelay $0x1  }
0x8a: {  	s1 =	srdreg.scid  }
0x8b: {  	s0 =	sand.u32 $0x1, s1  }
0x8c: {  	s17 =	sshll.u32 s0, $0xA;
	s2 =	sadd.s32 s3, s2  }
0x8d: {  	s2 =	sadd.s32 s2, s17  }
0x8e: {  	[smem:$0x3FC0] =	sst s2  }
0x8f: {  	_ = 	snop  }
0x90: {  	s2 =	sld [smem:$0x3FD0];
	(tm) =	ssettm $0x1  }
0x91: {  	s18 =	sld [smem:$0x3FFB];
	_ =	sdelay $0x3  }
0x92: {  	_ =	strace s18  }
0x93: {  	s3 =	sld [smem:$0x3FFC];
	_ =	sdelay $0x3  }
0x94: {  	_ =	strace s3  }
0x95: {  	s3 =	sld [smem:$0x3FFD];
	_ =	sdelay $0x3  }
0x96: {  	_ =	strace s3  }
0x97: {  	_ =	strace $0x8FFFFFFF  }
0x98: {  	s19 =	sld [smem:$0x3FDB];
	_ =	sdelay $0x1  }
0x99: {  	s4 =	simm.s32 $_scs_section_size  }
0x9a: {  	s5 =	simm.s32 $_size__tile_overlayer_lowered;
	s6 =	simm.s32 $_tile_overlayer_lowered  }
0x9b: {  	s22 =	simm.s32 $0x1BFF;
	s21 =	sshll.u32 s6, $0x1;
	s3 =	sadd.s32 s4, s19  }
0x9c: {  	s7 =	simm.s32 $0x0;
	s20 =	sshll.u32 s5, $0x1;
	s5 =	sadd.s32 s21, s3  }
0x9d: {  	[timem:s7], [sflag:s22] =	dma.local [hbm:s5], s20  }
0x9e: {  	_ =	swait.ge [sflag:s22], s20  }
0x9f: {  	s4 =	ssub.s32 $0x0, s20;
	[sflag:s22] =	ssyncset.done $0x0  }
0xa0: {  	[sflag:s22] =	ssyncadd.s32 s4;
	_ =	sdelay $0x1  }
0xa1: {  	s23 =	simm.s32 $0x1B8B  }
0xa2: {  	_ =	swait.ge [sflag:s23], $0x1  }
0xa3: {  	[sflag:s23] =	ssyncset.done $0x0  }
0xa4: {  	s25 =	simm.s32 $0x1B8E;
	s24 =	sld [smem:$0x3FFE];
	[sflag:s23] =	ssyncadd.s32 $0xFFFFFFFF  }
0xa5: {  	s26 =	simm.s32 $execute0_lowered;
	[smem:$0x3FD2] =	sst s25  }
0xa6: {  	s5 =	sshll.u32 s26, $0x1;
	_ =	strace $0x80000046;
	[dreg:$0x1] =	wrdreg $0xFFFFFFFF  }
0xa7: {  	s28 =	simm.s32 $_size_execute0_lowered;
	s3 =	sadd.s32 s3, s5;
	[dreg:$0x0] =	wrdreg $0x0  }
0xa8: {  	s5 =	sshll.u32 s28, $0x1;
	[dreg:$0x2] =	wrdreg s3  }
0xa9: {  	[dreg:$0x3] =	wrdreg s5  }
0xaa: {  	[dreg:$0x4] =	wrdreg $0xC0  }
0xab: {  	_ =	task [dreg:s7], $0x5FFFF  }
0xac: {  	[dreg:$0x1] =	wrdreg $0xFFFFFFFF  }
0xad: {  	[dreg:$0x0] =	wrdreg $0x60  }
0xae: {  	[dreg:$0x2] =	wrdreg s2  }
0xaf: {  	[dreg:$0x3] =	wrdreg s24  }
0xb0: {  	[dreg:$0x4] =	wrdreg $0x9  }
0xb1: {  	_ =	task.clear_ibuf [dreg:s7], $0x5FFFF;
	_ =	strace $0x90000046  }
0xb2: {  	s29 =	simm.s32 $0x9;
	_ =	strace $0x80000048  }
0xb3: {  	_ =	swait.ge [sflag:s29], $0x1  }
0xb4: {  	[sflag:s29] =	ssyncadd.s32 $0xFFFFFFFF  }
0xb5: {  	_ =	strace $0x90000048  }
0xb6: {  	_ =	sfence  }
0xb7: {  	s30 =	sld [smem:$0x0];
	_ =	sdelay $0x2  }
0xb8: {  	s31 =	sshll.u32 s1, $0xD;
	s1 =	sshrl.u32 s1, $0x2  }
0xb9: {  	s3 =	sand.u32 $0x4000, s31;
	s1 =	sadd.s32 s1, s30  }
0xba: {  	s0 =	sor.u32 s3, s0;
	s1 =	sshll.u32 s1, $0x11  }
0xbb: {  	s0 =	sor.u32 s1, s0  }
0xbc: {  	s0 =	sadd.s32 $0x8F2B, s0  }
0xbd: {  	[sflag:s0] =	ssyncadd.remote.s32 $0x1  }
0xbe: {  	_ =	sfence.sel $0xFFFF  }
0xbf: {  	[dreg:$0x0] =	wrdreg $0xFFFFFFFF;
	(pc) =	sbr.abs _section_cstart, $3  }
0xc0: {  	[dreg:$0x1] =	wrdreg $0xFFFFFFFF  }
0xc1: {  	_ =	task.clear_ibuf [dreg:s7], $0x2FFFF;
	_ =	strace $0x9FFFFFFF  }
0xc2: {  	(tm) =	ssettm $0x7FFFFFFF  }
0xc3: {  	_ =	shalt  }
tec
execute0_lowered:
.L_overlay_start_1:
0x0: {  	(tag) =	ssettag $0x1  }
0x1: {  	s0 =	rddreg [dreg:$0x0]  }
0x2: {  	s1 =	rddreg [dreg:$0x1];
	s2 =	simm.s32 $0x0  }
0x3: {  	s3 =	srdreg.scid;
	s4 =	stileid.u32;
	s8 =	simm.s32 $0x80  }
0x4: {  	s9 =	simm.s32 $0x1000;
	s10 =	simm.s32 $0x3000;
	s11 =	simm.s32 $0x100  }
0x5: {  	s12 =	simm.s32 $0x5000;
	s13 =	simm.s32 $0x180;
	s14 =	simm.s32 $0x7000  }
0x6: {  	s15 =	simm.s32 $0x1;
	s16 =	simm.s32 $0x9000;
	s17 =	simm.s32 $0x2  }
0x7: {  	s18 =	simm.s32 $0xD000;
	s19 =	simm.s32 $0x3;
	s20 =	simm.s32 $0x4  }
0x8: {  	s21 =	simm.s32 $0x0;
	[smem:$0x7FF] =	sst s2;
	s3 =	sand.u32 $0x1, s3  }
.Ltmp0:
0x9: {  	s4 =	sshll.u32 s4, $0x1;
	_ =	strace $0x80000047;
	(pc) =	sbr.rel .LBB2_1-.Ltmp0, $4  }
0xa: {  	v0 =	vlaneseq.u32;
	s4 =	sor.u32 s3, s4;
	s5 =	ssub.s32 $0x2, s3;
	s3 =	sadd.s32 $0x1000, s1  }
0xb: {  	v0 =	vand.u32 $0x1, v0;
	s6 =	sshll.u32 s4, $0xF;
	s7 =	sshrl.u32 s5, $0x1;
	s4 =	sshll.u32 s4, $0x9  }
0xc: {  	v0 =	vmul.u32 $0x400, v0;
	s1 =	sadd.s32 s6, s1;
	s31 =	ssub.s32 s5, s7;
	s4 =	sadd.s32 s0, s4  }
0xd: {  	s7 =	simm.s32 $0x5;
	s5 =	sadd.s32 $0x5000, s1;
	s6 =	smax.u32 s31, $0x1  }
.LBB2_10:
0xe: {  	s21 =	sadd.s32 $0x1, s21  }
0xf: {  	_ =	swait.ge [sflag:s19], $0x4000;
	p0 =	sne.s32 s21, s6  }
.Ltmp1:
0x10: {  	[sflag:s19] =	ssyncset.done $0x0;
	(pc) =	sbr.rel @!p0 .LBB2_11-.Ltmp1, $4  }
0x11: {  	[sflag:s19] =	ssyncadd.s32 $0xFFFFC000  }
0x12: {  	_ =	swait.ge [sflag:s20], $0x4000  }
0x13: {  	[sflag:s20] =	ssyncset.done $0x0  }
0x14: {  	[sflag:s20] =	ssyncadd.s32 $0xFFFFC000  }
.LBB2_1:
0x15: {  	[tilespmem:s2], [sflag:$0x5] =	stream.linear.gather [hbm4b:s4+s2], $0x1000, $0x38;
	[tilespmem:$0x11000] =	vst v63  }
0x16: {  	_ =	swait.ge [sflag:s7], $0x1000  }
0x17: {  	[sflag:s7] =	ssyncset.done $0x0  }
0x18: {  	s0 =	simm.s32 $0x0;
	[sflag:s7] =	ssyncadd.s32 $0xFFFFF000  }
0x19: {  	v3 =	vld [tilespmem:s0+$0x0]  }
0x1a: {  	v5 =	vld [tilespmem:s0+$0x10]  }
0x1b: {  	v4 =	vld [tilespmem:s0+$0x20]  }
0x1c: {  	v2 =	vld [tilespmem:s0+$0x30]  }
0x1d: {  	v1 =	vld [tilespmem:s0+$0x40]  }
0x1e: {  	v6 =	vadd.s32 v0, v3;
	v3 =	vld [tilespmem:s0+$0x50]  }
0x1f: {  	s1 =	simm.s32 $0x200;
	[tilespmem:s0+$0x0] =	vst v6;
	v6 =	vadd.s32 v0, v5;
	v5 =	vld [tilespmem:s0+$0x60]  }
.LBB2_2:
0x20: {  	s22 =	sshra.s32 s1, $0x2;
	p0 =	sne.s32 s1, $0x3E00;
	[tilespmem:s0+$0x10] =	vst v6;
	v4 =	vadd.s32 v0, v4;
	v6 =	vld [tilespmem:s0+$0x70]  }
0x21: {  	v7 =	vld [tilespmem:s22+$0x0];
	[tilespmem:s0+$0x20] =	vst v4;
	v2 =	vadd.s32 v0, v2  }
0x22: {  	v8 =	vld [tilespmem:s22+$0x10];
	[tilespmem:s0+$0x30] =	vst v2;
	v1 =	vadd.s32 v0, v1  }
.Ltmp2:
0x23: {  	v4 =	vld [tilespmem:s22+$0x20];
	[tilespmem:s0+$0x40] =	vst v1;
	v1 =	vadd.s32 v0, v3;
	(pc) =	sbr.rel @p0 .LBB2_2-.Ltmp2, $4  }
0x24: {  	v2 =	vld [tilespmem:s22+$0x30];
	[tilespmem:s0+$0x50] =	vst v1;
	v3 =	vadd.s32 v0, v5  }
0x25: {  	v1 =	vld [tilespmem:s22+$0x40];
	[tilespmem:s0+$0x60] =	vst v3;
	v5 =	vadd.s32 v0, v6  }
0x26: {  	v6 =	vadd.s32 v0, v7;
	v3 =	vld [tilespmem:s22+$0x50];
	[tilespmem:s0+$0x70] =	vst v5;
	s0 =	smov.u32 s22  }
0x27: {  	s1 =	sadd.s32 $0x200, s1;
	[tilespmem:s0+$0x0] =	vst v6;
	v6 =	vadd.s32 v0, v8;
	v5 =	vld [tilespmem:s0+$0x60]  }
0x28: {  	[tilespmem:s0+$0x10] =	vst v6;
	v4 =	vadd.s32 v0, v4;
	v63 =	vld [tilespmem:s0+$0x70]  }
0x29: {  	[tilespmem:s0+$0x20] =	vst v4;
	v2 =	vadd.s32 v0, v2  }
0x2a: {  	[tilespmem:s0+$0x30] =	vst v2;
	v1 =	vadd.s32 v0, v1  }
0x2b: {  	[tilespmem:s0+$0x40] =	vst v1;
	v1 =	vadd.s32 v0, v3  }
0x2c: {  	[tilespmem:s0+$0x50] =	vst v1;
	v1 =	vadd.s32 v0, v5  }
0x2d: {  	[tilespmem:s0+$0x60] =	vst v1;
	v1 =	vadd.s32 v0, v63  }
0x2e: {  	s22 =	simm.s32 $0x0;
	[tilespmem:s0+$0x70] =	vst v1  }
0x2f: {  	[tilespmem:s9], [sflag:$0x1] =	stream.indirect.gather [hbm4b:s3+s8], $0x40, s22, s8, $0xb8;
	[tilespmem:$0x11000] =	vst v63  }
0x30: {  	_ = 	snop  }
0x31: {  	[tilespmem:s10], [sflag:$0x1] =	stream.indirect.gather [hbm4b:s3+s8], $0x40, s8, s8, $0xb8;
	[tilespmem:$0x11000] =	vst v63  }
0x32: {  	_ = 	snop  }
0x33: {  	[tilespmem:s12], [sflag:$0x2] =	stream.indirect.gather [hbm4b:s3+s8], $0x40, s11, s8, $0xb8;
	[tilespmem:$0x11000] =	vst v63  }
0x34: {  	_ = 	snop  }
0x35: {  	[tilespmem:s14], [sflag:$0x2] =	stream.indirect.gather [hbm4b:s3+s8], $0x40, s13, s8, $0xb8;
	[tilespmem:$0x11000] =	vst v63  }
.LBB2_4:
0x36: {  	_ =	swait.ge [sflag:s15], $0x2000  }
0x37: {  	[sflag:s15] =	ssyncset.done $0x0  }
0x38: {  	[sflag:s15] =	ssyncadd.s32 $0xFFFFE000  }
0x39: {  	_ =	swait.ge [sflag:s15], $0x2000  }
0x3a: {  	p0 =	seq.s32 s22, $0x0;
	[sflag:s15] =	ssyncset.done $0x0  }
0x3b: {  	s0 =	simm.s32 @!p0 $0x3;
	[sflag:s15] =	ssyncadd.s32 $0xFFFFE000  }
0x3c: {  	_ =	swait.ge @!p0 [sflag:s0], $0x4000  }
0x3d: {  	[sflag:s0] =	ssyncset.done @!p0 $0x0  }
0x3e: {  	s23 =	simm.s32 $0x1100;
	[sflag:s0] =	ssyncadd.s32 @!p0 $0xFFFFC000  }
0x3f: {  	v1 =	vld [tilespmem:s23+$0xC0]  }
0x40: {  	v2 =	vld [tilespmem:s23+$0x80];
	_ =	sdelay $0x1  }
0x41: {  	v3 =	vld [tilespmem:s23+$0xFFFFFF00]  }
0x42: {  	v4 =	vld [tilespmem:s23+$0xFFFFFFC0]  }
0x43: {  	v5 =	vld [tilespmem:s23+$0xFFFFFF80]  }
0x44: {  	s28 =	simm.s32 $0x1300;
	v8 =	vld [tilespmem:s23+$0xFFFFFF40];
	v6 =	vand.u32 $0xFFFF0000, v1;
	v7 =	vand.u32 $0xFFFF0000, v2  }
0x45: {  	v15 =	vld [tilespmem:s28+$0xFFFFFF00];
	v1 =	vshll.u32 v1, $0x10;
	v2 =	vshll.u32 v2, $0x10;
	v6 =	vadd.f32 v6, v7  }
0x46: {  	s29 =	simm.s32 $0x9100;
	v16 =	vld [tilespmem:s28+$0x40];
	v1 =	vadd.f32 v1, v2  }
0x47: {  	v2 =	vld [tilespmem:s23+$0x0];
	[tilespmem:s29+$0x90] =	vst v6  }
0x48: {  	v7 =	vshll.u32 v5, $0x10;
	v6 =	vld [tilespmem:s23+$0x40];
	[tilespmem:s29+$0x80] =	vst v1;
	v1 =	vshll.u32 v4, $0x10  }
0x49: {  	v5 =	vand.u32 $0xFFFF0000, v5;
	v4 =	vand.u32 $0xFFFF0000, v4;
	v1 =	vadd.f32 v1, v7;
	v7 =	vld [tilespmem:s23+$0x90]  }
0x4a: {  	v9 =	vshll.u32 v3, $0x10;
	v11 =	vld [tilespmem:s23+$0xD0];
	v4 =	vadd.f32 v4, v5  }
0x4b: {  	v10 =	vshll.u32 v8, $0x10;
	v8 =	vand.u32 $0xFFFF0000, v8;
	v3 =	vand.u32 $0xFFFF0000, v3;
	v5 =	vld [tilespmem:s28+$0x80];
	[tilespmem:s29+$0xFFFFFF80] =	vst v1  }
0x4c: {  	v9 =	vadd.f32 v10, v9;
	v1 =	vadd.f32 v8, v3;
	v3 =	vld [tilespmem:s28+$0xC0];
	[tilespmem:s29+$0xFFFFFF90] =	vst v4  }
0x4d: {  	v8 =	vld [tilespmem:s23+$0xFFFFFF90]  }
0x4e: {  	v18 =	vand.u32 $0xFFFF0000, v16;
	[tilespmem:s29+$0xFFFFFF00] =	vst v9;
	v12 =	vand.u32 $0xFFFF0000, v2;
	v10 =	vld [tilespmem:s23+$0xFFFFFFD0]  }
0x4f: {  	v2 =	vshll.u32 v2, $0x10;
	[tilespmem:s29+$0xFFFFFF10] =	vst v1;
	v1 =	vld [tilespmem:s28+$0x0];
	v13 =	vshll.u32 v7, $0x10;
	v14 =	vshll.u32 v11, $0x10  }
0x50: {  	v4 =	vld [tilespmem:s23+$0xFFFFFF10];
	v7 =	vand.u32 $0xFFFF0000, v7;
	v11 =	vand.u32 $0xFFFF0000, v11;
	v13 =	vadd.f32 v14, v13  }
0x51: {  	v17 =	vand.u32 $0xFFFF0000, v5;
	v14 =	vld [tilespmem:s23+$0xFFFFFF50];
	v7 =	vadd.f32 v11, v7;
	v11 =	vand.u32 $0xFFFF0000, v3  }
0x52: {  	v5 =	vshll.u32 v5, $0x10;
	v3 =	vshll.u32 v3, $0x10;
	[tilespmem:s29+$0xA0] =	vst v13;
	v13 =	vld [tilespmem:s28+$0xFFFFFFC0];
	v11 =	vadd.f32 v11, v17  }
0x53: {  	s25 =	simm.s32 $0x9300;
	v9 =	vand.u32 $0xFFFF0000, v6;
	v6 =	vshll.u32 v6, $0x10;
	v3 =	vadd.f32 v3, v5;
	v5 =	vld [tilespmem:s28+$0xFFFFFF80];
	[tilespmem:s29+$0xB0] =	vst v7  }
0x54: {  	v9 =	vadd.f32 v9, v12;
	v7 =	vand.u32 $0xFFFF0000, v10;
	v12 =	vand.u32 $0xFFFF0000, v8;
	v17 =	vld [tilespmem:s28+$0xFFFFFF40];
	[tilespmem:s25+$0x90] =	vst v11  }
0x55: {  	v8 =	vshll.u32 v8, $0x10;
	v10 =	vshll.u32 v10, $0x10;
	v7 =	vadd.f32 v7, v12;
	[tilespmem:s25+$0x80] =	vst v3;
	v3 =	vld [tilespmem:s23+$0xA0]  }
0x56: {  	v2 =	vadd.f32 v6, v2;
	v8 =	vadd.f32 v10, v8;
	v6 =	vshll.u32 v4, $0x10;
	v10 =	vld [tilespmem:s28+$0x90]  }
0x57: {  	v4 =	vand.u32 $0xFFFF0000, v4;
	v11 =	vshll.u32 v15, $0x10;
	v12 =	vshll.u32 v14, $0x10;
	[tilespmem:s29+$0xFFFFFFB0] =	vst v7;
	v7 =	vld [tilespmem:s28+$0xD0]  }
0x58: {  	[tilespmem:s29+$0xFFFFFFA0] =	vst v8;
	v8 =	vshll.u32 v1, $0x10;
	v6 =	vadd.f32 v12, v6;
	v12 =	vand.u32 $0xFFFF0000, v14;
	v14 =	vld [tilespmem:s23+$0xE0]  }
0x59: {  	[tilespmem:s29+$0x10] =	vst v9;
	v1 =	vand.u32 $0xFFFF0000, v1;
	v19 =	vld [tilespmem:s23+$0xFFFFFFA0];
	v9 =	vshll.u32 v13, $0x10;
	v20 =	vshll.u32 v5, $0x10  }
0x5a: {  	s24 =	simm.s32 $0x1500;
	[tilespmem:s29+$0x0] =	vst v2;
	v2 =	vld [tilespmem:s23+$0xFFFFFFE0];
	v1 =	vadd.f32 v18, v1;
	v21 =	vshll.u32 v17, $0x10;
	v9 =	vadd.f32 v9, v20  }
0x5b: {  	v18 =	vld [tilespmem:s24+$0xC0];
	v13 =	vand.u32 $0xFFFF0000, v13;
	v5 =	vand.u32 $0xFFFF0000, v5;
	v11 =	vadd.f32 v21, v11  }
0x5c: {  	v15 =	vand.u32 $0xFFFF0000, v15;
	v17 =	vand.u32 $0xFFFF0000, v17;
	v20 =	vld [tilespmem:s23+$0x50];
	v5 =	vadd.f32 v13, v5;
	[tilespmem:s25+$0xFFFFFF80] =	vst v9  }
0x5d: {  	v4 =	vadd.f32 v12, v4;
	v9 =	vadd.f32 v17, v15;
	v15 =	vld [tilespmem:s24+$0x80];
	[tilespmem:s25+$0xFFFFFF00] =	vst v11  }
0x5e: {  	v13 =	vshll.u32 v16, $0x10;
	v11 =	vld [tilespmem:s23+$0x10];
	v12 =	vand.u32 $0xFFFF0000, v10;
	v10 =	vshll.u32 v10, $0x10;
	[tilespmem:s25+$0xFFFFFF90] =	vst v5  }
0x5f: {  	v16 =	vshll.u32 v7, $0x10;
	v7 =	vand.u32 $0xFFFF0000, v7;
	v5 =	vand.u32 $0xFFFF0000, v19;
	v22 =	vld [tilespmem:s28+$0xFFFFFF90]  }
0x60: {  	v17 =	vand.u32 $0xFFFF0000, v2;
	v7 =	vadd.f32 v7, v12;
	v12 =	vshll.u32 v14, $0x10;
	[tilespmem:s25+$0xFFFFFF10] =	vst v9;
	v9 =	vld [tilespmem:s24+$0x0]  }
0x61: {  	[tilespmem:s29+$0xFFFFFF20] =	vst v6;
	v10 =	vadd.f32 v16, v10;
	v5 =	vadd.f32 v17, v5;
	v17 =	vand.u32 $0xFFFF0000, v14;
	v14 =	vld [tilespmem:s28+$0xFFFFFFD0]  }
0x62: {  	[tilespmem:s25+$0x10] =	vst v1;
	v8 =	vadd.f32 v13, v8;
	v13 =	vshll.u32 v3, $0x10;
	v3 =	vand.u32 $0xFFFF0000, v3;
	v21 =	vld [tilespmem:s28+$0xFFFFFF10]  }
0x63: {  	v3 =	vadd.f32 v17, v3;
	v17 =	vshll.u32 v19, $0x10;
	v19 =	vld [tilespmem:s24+$0x40];
	[tilespmem:s25+$0xA0] =	vst v10  }
0x64: {  	v2 =	vshll.u32 v2, $0x10;
	v6 =	vshll.u32 v18, $0x10;
	[tilespmem:s29+$0xFFFFFFD0] =	vst v5;
	v5 =	vadd.f32 v12, v13;
	v12 =	vld [tilespmem:s24+$0xFFFFFF00]  }
0x65: {  	v2 =	vadd.f32 v2, v17;
	v13 =	vand.u32 $0xFFFF0000, v20;
	v17 =	vshll.u32 v20, $0x10;
	v20 =	vld [tilespmem:s24+$0xFFFFFFC0];
	[tilespmem:s29+$0xD0] =	vst v3  }
0x66: {  	v3 =	vld [tilespmem:s28+$0xFFFFFF50];
	v16 =	vshll.u32 v11, $0x10;
	v11 =	vand.u32 $0xFFFF0000, v11;
	v1 =	vshll.u32 v15, $0x10;
	[tilespmem:s29+$0xC0] =	vst v5  }
0x67: {  	v15 =	vand.u32 $0xFFFF0000, v15;
	[tilespmem:s29+$0xFFFFFFC0] =	vst v2;
	v5 =	vadd.f32 v17, v16;
	v11 =	vadd.f32 v13, v11;
	v13 =	vld [tilespmem:s23+$0xB0]  }
0x68: {  	[tilespmem:s25+$0xB0] =	vst v7;
	v16 =	vand.u32 $0xFFFF0000, v18;
	v1 =	vadd.f32 v6, v1;
	v6 =	vand.u32 $0xFFFF0000, v22;
	v2 =	vld [tilespmem:s23+$0xFFFFFFB0]  }
0x69: {  	v10 =	vshll.u32 v22, $0x10;
	v17 =	vshll.u32 v21, $0x10;
	v18 =	vand.u32 $0xFFFF0000, v21;
	[tilespmem:s29+$0x20] =	vst v5;
	v21 =	vld [tilespmem:s24+$0xFFFFFF80]  }
0x6a: {  	s26 =	simm.s32 $0x9500;
	v15 =	vadd.f32 v16, v15;
	v5 =	vand.u32 $0xFFFF0000, v14;
	[tilespmem:s29+$0x30] =	vst v11;
	v11 =	vld [tilespmem:s24+$0xFFFFFF40];
	v14 =	vshll.u32 v14, $0x10  }
0x6b: {  	v7 =	vand.u32 $0xFFFF0000, v19;
	[tilespmem:s26+$0x80] =	vst v1;
	v5 =	vadd.f32 v5, v6;
	v6 =	vshll.u32 v12, $0x10;
	v22 =	vld [tilespmem:s23+$0x20]  }
0x6c: {  	v10 =	vadd.f32 v14, v10;
	[tilespmem:s26+$0x90] =	vst v15;
	v15 =	vshll.u32 v9, $0x10;
	v9 =	vand.u32 $0xFFFF0000, v9;
	v24 =	vld [tilespmem:s23+$0x60]  }
0x6d: {  	v1 =	vshll.u32 v20, $0x10;
	v20 =	vand.u32 $0xFFFF0000, v20;
	v16 =	vshll.u32 v3, $0x10;
	v26 =	vld [tilespmem:s24+$0x90]  }
0x6e: {  	[tilespmem:s29+$0xFFFFFF30] =	vst v4;
	v12 =	vand.u32 $0xFFFF0000, v12;
	v3 =	vand.u32 $0xFFFF0000, v3;
	v14 =	vadd.f32 v16, v17;
	v16 =	vld [tilespmem:s23+$0xFFFFFFF0]  }
0x6f: {  	v17 =	vld [tilespmem:s28+$0xA0];
	[tilespmem:s25+$0xFFFFFFB0] =	vst v5;
	v5 =	vadd.f32 v7, v9;
	v3 =	vadd.f32 v3, v18;
	v23 =	vand.u32 $0xFFFF0000, v2  }
0x70: {  	[tilespmem:s25+$0x0] =	vst v8;
	v7 =	vld [tilespmem:s24+$0xD0];
	v2 =	vshll.u32 v2, $0x10;
	v4 =	vshll.u32 v21, $0x10;
	v21 =	vand.u32 $0xFFFF0000, v21  }
0x71: {  	v18 =	vld [tilespmem:s28+$0xE0];
	v25 =	vshll.u32 v11, $0x10;
	[tilespmem:s25+$0xFFFFFF20] =	vst v14;
	v14 =	vshll.u32 v19, $0x10;
	v1 =	vadd.f32 v1, v4  }
0x72: {  	[tilespmem:s25+$0xFFFFFFA0] =	vst v10;
	v19 =	vld [tilespmem:s23+$0xFFFFFF20];
	v4 =	vand.u32 $0xFFFF0000, v11;
	v9 =	vand.u32 $0xFFFF0000, v22;
	v11 =	vadd.f32 v20, v21  }
0x73: {  	s0 =	simm.s32 $0x1700;
	[tilespmem:s26+$0x10] =	vst v5;
	v5 =	vld [tilespmem:s28+$0xFFFFFFE0];
	v6 =	vadd.f32 v25, v6;
	v10 =	vand.u32 $0xFFFF0000, v24;
	v20 =	vshll.u32 v22, $0x10  }
0x74: {  	[tilespmem:s25+$0xFFFFFF30] =	vst v3;
	v3 =	vld [tilespmem:s0+$0x0];
	v24 =	vshll.u32 v24, $0x10;
	v4 =	vadd.f32 v4, v12;
	v8 =	vadd.f32 v10, v9  }
0x75: {  	v12 =	vld [tilespmem:s28+$0xFFFFFFA0];
	v9 =	vand.u32 $0xFFFF0000, v26;
	v10 =	vshll.u32 v26, $0x10;
	[tilespmem:s26+$0xFFFFFF80] =	vst v1;
	v1 =	vadd.f32 v14, v15  }
0x76: {  	v14 =	vshll.u32 v17, $0x10;
	v15 =	vld [tilespmem:s23+$0xFFFFFF60];
	v21 =	vshll.u32 v7, $0x10;
	v7 =	vand.u32 $0xFFFF0000, v7;
	[tilespmem:s26+$0xFFFFFF00] =	vst v6  }
0x77: {  	v25 =	vld [tilespmem:s28+$0x50];
	v22 =	vand.u32 $0xFFFF0000, v16;
	v6 =	vadd.f32 v24, v20;
	[tilespmem:s29+$0x50] =	vst v8;
	v10 =	vadd.f32 v21, v10  }
0x78: {  	v26 =	vadd.f32 v7, v9;
	v8 =	vld [tilespmem:s23+$0xF0];
	v20 =	vadd.f32 v22, v23;
	v9 =	vand.u32 $0xFFFF0000, v17;
	[tilespmem:s26+$0xFFFFFF10] =	vst v4  }
0x79: {  	v17 =	vld [tilespmem:s0+$0xC0];
	v21 =	vshll.u32 v13, $0x10;
	v13 =	vand.u32 $0xFFFF0000, v13;
	[tilespmem:s26+$0xA0] =	vst v10;
	v10 =	vand.u32 $0xFFFF0000, v5  }
0x7a: {  	v22 =	vld [tilespmem:s0+$0x80];
	[tilespmem:s29+$0x40] =	vst v6;
	v5 =	vshll.u32 v5, $0x10;
	v6 =	vshll.u32 v12, $0x10;
	v12 =	vand.u32 $0xFFFF0000, v12  }
0x7b: {  	[tilespmem:s26+$0xFFFFFF90] =	vst v11;
	v27 =	vld [tilespmem:s24+$0xFFFFFF50];
	v7 =	vand.u32 $0xFFFF0000, v15;
	v11 =	vshll.u32 v15, $0x10;
	v15 =	vshll.u32 v19, $0x10  }
0x7c: {  	v23 =	vld [tilespmem:s23+$0x30];
	v19 =	vand.u32 $0xFFFF0000, v19;
	v4 =	vadd.f32 v10, v12;
	v5 =	vadd.f32 v5, v6  }
0x7d: {  	[tilespmem:s29+$0xFFFFFFF0] =	vst v20;
	v6 =	vand.u32 $0xFFFF0000, v18;
	v10 =	vld [tilespmem:s28+$0x10];
	v7 =	vadd.f32 v7, v19;
	v11 =	vadd.f32 v11, v15  }
0x7e: {  	v12 =	vld [tilespmem:s23+$0x70];
	v15 =	vshll.u32 v16, $0x10;
	v6 =	vadd.f32 v6, v9;
	v9 =	vand.u32 $0xFFFF0000, v25;
	[tilespmem:s25+$0xFFFFFFD0] =	vst v4  }
0x7f: {  	v16 =	vld [tilespmem:s24+$0xFFFFFF10];
	v4 =	vshll.u32 v18, $0x10;
	[tilespmem:s25+$0xFFFFFFC0] =	vst v5;
	v5 =	vshll.u32 v8, $0x10;
	v15 =	vadd.f32 v15, v2  }
0x80: {  	v18 =	vld [tilespmem:s24+$0xFFFFFFD0];
	v4 =	vadd.f32 v4, v14;
	[tilespmem:s29+$0xFFFFFF50] =	vst v7;
	v5 =	vadd.f32 v5, v21;
	v7 =	vand.u32 $0xFFFF0000, v8  }
0x81: {  	v14 =	vld [tilespmem:s24+$0xFFFFFF90];
	[tilespmem:s29+$0xFFFFFF40] =	vst v11;
	v8 =	vand.u32 $0xFFFF0000, v23;
	v21 =	vshll.u32 v17, $0x10;
	v7 =	vadd.f32 v7, v13  }
0x82: {  	[tilespmem:s26+$0xB0] =	vst v26;
	v13 =	vshll.u32 v25, $0x10;
	v19 =	vld [tilespmem:s23+$0xFFFFFF70];
	v11 =	vshll.u32 v10, $0x10;
	v10 =	vand.u32 $0xFFFF0000, v10  }
0x83: {  	[tilespmem:s25+$0xD0] =	vst v6;
	v6 =	vld [tilespmem:s0+$0xFFFFFF00];
	v25 =	vand.u32 $0xFFFF0000, v17;
	v13 =	vadd.f32 v13, v11;
	v24 =	vadd.f32 v9, v10  }
0x84: {  	[tilespmem:s29+$0xE0] =	vst v5;
	v5 =	vld [tilespmem:s0+$0x40];
	v9 =	vand.u32 $0xFFFF0000, v12;
	v11 =	vshll.u32 v12, $0x10;
	v12 =	vshll.u32 v22, $0x10  }
0x85: {  	v10 =	vld [tilespmem:s23+$0xFFFFFF30];
	[tilespmem:s29+$0xF0] =	vst v7;
	v28 =	vshll.u32 v16, $0x10;
	v7 =	vand.u32 $0xFFFF0000, v16;
	v29 =	vadd.f32 v21, v12  }
0x86: {  	v2 =	vld [tilespmem:s28+$0xFFFFFFB0];
	v16 =	vand.u32 $0xFFFF0000, v18;
	v21 =	vshll.u32 v23, $0x10;
	[tilespmem:s25+$0x20] =	vst v13;
	v13 =	vand.u32 $0xFFFF0000, v22  }
0x87: {  	[tilespmem:s29+$0xFFFFFFE0] =	vst v15;
	v17 =	vld [tilespmem:s0+$0xFFFFFFC0];
	v20 =	vand.u32 $0xFFFF0000, v14;
	v14 =	vshll.u32 v14, $0x10;
	v12 =	vshll.u32 v19, $0x10  }
0x88: {  	v15 =	vld [tilespmem:s0+$0xFFFFFF40];
	[tilespmem:s25+$0xC0] =	vst v4;
	v30 =	vand.u32 $0xFFFF0000, v19;
	v23 =	vadd.f32 v25, v13;
	v22 =	vadd.f32 v16, v20  }
0x89: {  	s30 =	simm.s32 $0x9700;
	[tilespmem:s25+$0x30] =	vst v24;
	v13 =	vshll.u32 v6, $0x10;
	v19 =	vld [tilespmem:s0+$0xFFFFFF80];
	v16 =	vshll.u32 v18, $0x10;
	v18 =	vshll.u32 v27, $0x10  }
0x8a: {  	v4 =	vld [tilespmem:s28+$0xB0];
	[tilespmem:s30+$0x80] =	vst v29;
	v20 =	vand.u32 $0xFFFF0000, v5;
	v16 =	vadd.f32 v16, v14;
	v24 =	vand.u32 $0xFFFF0000, v10  }
0x8b: {  	s1 =	simm.s32 $0xC;
	s31 =	simm.s32 $0x1700;
	s23 =	sshll.u32 s22, $0xB;
	v14 =	vand.u32 $0xFFFF0000, v27;
	[tilespmem:s30+$0x90] =	vst v23;
	v23 =	vadd.f32 v18, v28;
	v18 =	vld [tilespmem:s28+$0x20];
	v24 =	vadd.f32 v30, v24  }
.LBB2_5:
0x8c: {  	s1 =	sadd.s32 $0x4, s1;
	v25 =	vshll.u32 v3, $0x10;
	v3 =	vand.u32 $0xFFFF0000, v3;
	[tilespmem:s26+$0xFFFFFFB0] =	vst v22;
	v22 =	vld [tilespmem:s28+$0xFFFFFFF0];
	v26 =	vand.u32 $0xFFFF0000, v2  }
0x8d: {  	v11 =	vadd.f32 v11, v21;
	p1 =	slt.u32 s1, $0x7C;
	v27 =	vshll.u32 v17, $0x10;
	v17 =	vand.u32 $0xFFFF0000, v17;
	v28 =	vld [tilespmem:s24+$0xA0];
	[tilespmem:s29+$0xFFFFFF70] =	vst v24  }
0x8e: {  	v10 =	vshll.u32 v10, $0x10;
	v21 =	vshll.u32 v19, $0x10;
	v19 =	vand.u32 $0xFFFF0000, v19;
	[tilespmem:s26+$0xFFFFFF20] =	vst v23;
	v23 =	vld [tilespmem:s28+$0x60]  }
0x8f: {  	v8 =	vadd.f32 v9, v8;
	v24 =	vshll.u32 v15, $0x10;
	v21 =	vadd.f32 v27, v21;
	v27 =	vld [tilespmem:s0+$0x90];
	[tilespmem:s29+$0x60] =	vst v11  }
0x90: {  	v3 =	vadd.f32 v20, v3;
	v9 =	vand.u32 $0xFFFF0000, v15;
	v11 =	vld [tilespmem:s0+$0xD0];
	v15 =	vand.u32 $0xFFFF0000, v18  }
0x91: {  	v5 =	vshll.u32 v5, $0x10;
	v10 =	vadd.f32 v12, v10;
	v17 =	vadd.f32 v17, v19;
	v19 =	vld [tilespmem:s28+$0xFFFFFF20];
	[tilespmem:s29+$0x70] =	vst v8  }
0x92: {  	v5 =	vadd.f32 v5, v25;
	v18 =	vshll.u32 v18, $0x10;
	[tilespmem:s30+$0xFFFFFF80] =	vst v21;
	v8 =	vshll.u32 v28, $0x10;
	v12 =	vld [tilespmem:s28+$0xFFFFFF60]  }
0x93: {  	v6 =	vand.u32 $0xFFFF0000, v6;
	v7 =	vadd.f32 v14, v7;
	v13 =	vadd.f32 v24, v13;
	v14 =	vld [tilespmem:s24+$0xE0];
	[tilespmem:s29+$0xFFFFFF60] =	vst v10;
	s29 =	smov.u32 s25;
	s25 =	smov.u32 s26;
	s26 =	smov.u32 s30  }
0x94: {  	v6 =	vadd.f32 v9, v6;
	v10 =	vand.u32 $0xFFFF0000, v23;
	v9 =	vand.u32 $0xFFFF0000, v27;
	[tilespmem:s25+$0xFFFFFFA0] =	vst v16  }
0x95: {  	s0 =	sadd.s32 $0x200, s0;
	v16 =	vshll.u32 v27, $0x10;
	v10 =	vadd.f32 v10, v15;
	v20 =	vshll.u32 v11, $0x10;
	v21 =	vld [tilespmem:s24+$0xFFFFFFA0];
	[tilespmem:s25+$0x0] =	vst v1;
	v1 =	vmovc v5  }
0x96: {  	v15 =	vshll.u32 v23, $0x10;
	[tilespmem:s30+$0x10] =	vst v3;
	v3 =	vand.u32 $0xFFFF0000, v11;
	v5 =	vld [tilespmem:s24+$0xFFFFFFE0];
	v11 =	vand.u32 $0xFFFF0000, v22  }
0x97: {  	v23 =	vadd.f32 v3, v9;
	v9 =	vld [tilespmem:s24+$0x50];
	v3 =	vand.u32 $0xFFFF0000, v12;
	v24 =	vadd.f32 v11, v26;
	[tilespmem:s29+$0x50] =	vst v10  }
0x98: {  	v10 =	vand.u32 $0xFFFF0000, v28;
	v11 =	vshll.u32 v12, $0x10;
	v12 =	vadd.f32 v15, v18;
	[tilespmem:s30+$0xFFFFFF00] =	vst v13;
	v13 =	vld [tilespmem:s28+$0xF0]  }
0x99: {  	v16 =	vadd.f32 v20, v16;
	v18 =	vshll.u32 v4, $0x10;
	v15 =	vld [tilespmem:s0+$0xC0];
	[tilespmem:s30+$0xFFFFFF90] =	vst v17;
	v17 =	vshll.u32 v19, $0x10  }
0x9a: {  	v19 =	vand.u32 $0xFFFF0000, v19;
	v20 =	vld [tilespmem:s0+$0x80];
	v25 =	vshll.u32 v21, $0x10;
	v21 =	vand.u32 $0xFFFF0000, v21;
	[tilespmem:s29+$0x40] =	vst v12  }
0x9b: {  	[tilespmem:s30+$0xA0] =	vst v16;
	v12 =	vshll.u32 v5, $0x10;
	v5 =	vand.u32 $0xFFFF0000, v5;
	v16 =	vadd.f32 v3, v19;
	v19 =	vld [tilespmem:s28+$0x30]  }
0x9c: {  	[tilespmem:s30+$0xFFFFFF10] =	vst v6;
	v6 =	vadd.f32 v12, v25;
	v5 =	vadd.f32 v5, v21;
	v12 =	vand.u32 $0xFFFF0000, v14;
	v21 =	vld [tilespmem:s28+$0x70]  }
0x9d: {  	v11 =	vadd.f32 v11, v17;
	[tilespmem:s25+$0xFFFFFF30] =	vst v7;
	v7 =	vld [tilespmem:s24+$0x10]  }
0x9e: {  	v3 =	vld [tilespmem:s0+$0x0];
	[tilespmem:s25+$0xFFFFFFD0] =	vst v5;
	v5 =	vshll.u32 v14, $0x10;
	v14 =	vshll.u32 v22, $0x10  }
0x9f: {  	v4 =	vand.u32 $0xFFFF0000, v4;
	v17 =	vld [tilespmem:s31+$0xFFFFFF10];
	[tilespmem:s25+$0xFFFFFFC0] =	vst v6;
	v22 =	vadd.f32 v5, v8;
	v5 =	vshll.u32 v13, $0x10  }
0xa0: {  	v6 =	vadd.f32 v12, v10;
	v10 =	vand.u32 $0xFFFF0000, v13;
	v25 =	vld [tilespmem:s31+$0xFFFFFF90];
	[tilespmem:s29+$0xFFFFFF50] =	vst v16;
	v5 =	vadd.f32 v5, v18  }
0xa1: {  	v12 =	vand.u32 $0xFFFF0000, v9;
	v8 =	vand.u32 $0xFFFF0000, v19;
	v4 =	vadd.f32 v10, v4;
	v16 =	vld [tilespmem:s31+$0xFFFFFFD0];
	[tilespmem:s29+$0xFFFFFF40] =	vst v11  }
0xa2: {  	v9 =	vshll.u32 v9, $0x10;
	v10 =	vshll.u32 v7, $0x10;
	v7 =	vand.u32 $0xFFFF0000, v7;
	[tilespmem:s25+$0xD0] =	vst v6;
	v13 =	vld [tilespmem:s28+$0xFFFFFF70]  }
0xa3: {  	v6 =	vld [tilespmem:s0+$0xFFFFFF00];
	v18 =	vadd.f32 v9, v10;
	v26 =	vadd.f32 v12, v7;
	v9 =	vand.u32 $0xFFFF0000, v21;
	[tilespmem:s29+$0xE0] =	vst v5  }
0xa4: {  	v11 =	vshll.u32 v21, $0x10;
	v12 =	vshll.u32 v15, $0x10;
	v15 =	vand.u32 $0xFFFF0000, v15;
	v10 =	vld [tilespmem:s28+$0xFFFFFF30];
	[tilespmem:s29+$0xF0] =	vst v4;
	s28 =	smov.u32 s24;
	s24 =	smov.u32 s31;
	s31 =	smov.u32 s0  }
0xa5: {  	v2 =	vshll.u32 v2, $0x10;
	v28 =	vshll.u32 v17, $0x10;
	v7 =	vand.u32 $0xFFFF0000, v17;
	v27 =	vld [tilespmem:s24+$0xFFFFFF50];
	[tilespmem:s25+$0x20] =	vst v18  }
0xa6: {  	v14 =	vadd.f32 v14, v2;
	v4 =	vshll.u32 v20, $0x10;
	v18 =	vand.u32 $0xFFFF0000, v20;
	v5 =	vld [tilespmem:s0+$0x40];
	[tilespmem:s25+$0xC0] =	vst v22  }
0xa7: {  	v29 =	vadd.f32 v12, v4;
	v20 =	vand.u32 $0xFFFF0000, v16;
	v4 =	vld [tilespmem:s28+$0xB0];
	v12 =	vshll.u32 v13, $0x10;
	[tilespmem:s29+$0xFFFFFFF0] =	vst v24  }
.Ltmp3:
0xa8: {  	s30 =	sadd.s32 $0x200, s30;
	v21 =	vshll.u32 v19, $0x10;
	v22 =	vand.u32 $0xFFFF0000, v25;
	v24 =	vand.u32 $0xFFFF0000, v13;
	v2 =	vld [tilespmem:s28+$0xFFFFFFB0];
	[tilespmem:s29+$0xFFFFFFE0] =	vst v14;
	(pc) =	sbr.rel @p1 .LBB2_5-.Ltmp3, $4  }
0xa9: {  	v22 =	vadd.f32 v20, v22;
	v14 =	vadd.f32 v15, v18;
	v17 =	vld [tilespmem:s0+$0xFFFFFFC0];
	[tilespmem:s25+$0x30] =	vst v26;
	v26 =	vand.u32 $0xFFFF0000, v10  }
0xaa: {  	v16 =	vshll.u32 v16, $0x10;
	v13 =	vshll.u32 v6, $0x10;
	v18 =	vshll.u32 v25, $0x10;
	v19 =	vld [tilespmem:s0+$0xFFFFFF80];
	[tilespmem:s26+$0xB0] =	vst v23  }
0xab: {  	v16 =	vadd.f32 v16, v18;
	v15 =	vld [tilespmem:s0+$0xFFFFFF40];
	v20 =	vand.u32 $0xFFFF0000, v5;
	[tilespmem:s30+$0x90] =	vst v14;
	v14 =	vshll.u32 v27, $0x10  }
0xac: {  	v24 =	vadd.f32 v24, v26;
	[tilespmem:s30+$0x80] =	vst v29;
	v23 =	vadd.f32 v14, v28;
	v14 =	vand.u32 $0xFFFF0000, v27;
	v18 =	vld [tilespmem:s28+$0x20]  }
0xad: {  	[tilespmem:s26+$0xFFFFFFB0] =	vst v22  }
0xae: {  	[tilespmem:s26+$0xFFFFFFA0] =	vst v16  }
0xaf: {  	[tilespmem:s26+$0x0] =	vst v1  }
0xb0: {  	v11 =	vadd.f32 v11, v21;
	v57 =	vld [tilespmem:s28+$0x60];
	[tilespmem:s29+$0xFFFFFF70] =	vst v24  }
0xb1: {  	v8 =	vadd.f32 v9, v8;
	v62 =	vld [tilespmem:s28+$0xFFFFFF20];
	[tilespmem:s26+$0xFFFFFF20] =	vst v23  }
0xb2: {  	v25 =	vld [tilespmem:s24+$0xA0];
	v7 =	vadd.f32 v14, v7;
	v55 =	vshll.u32 v17, $0x10;
	v56 =	vshll.u32 v19, $0x10;
	[tilespmem:s29+$0x60] =	vst v11  }
0xb3: {  	v9 =	vshll.u32 v10, $0x10;
	v27 =	vld [tilespmem:s24+$0xE0];
	[tilespmem:s29+$0x70] =	vst v8;
	v10 =	vadd.f32 v55, v56  }
0xb4: {  	v6 =	vand.u32 $0xFFFF0000, v6;
	v9 =	vadd.f32 v12, v9;
	v8 =	vld [tilespmem:s0+$0x90];
	[tilespmem:s26+$0xFFFFFF30] =	vst v7;
	v59 =	vshll.u32 v15, $0x10  }
0xb5: {  	v11 =	vld [tilespmem:s0+$0xD0];
	v61 =	vand.u32 $0xFFFF0000, v19;
	v13 =	vadd.f32 v59, v13;
	[tilespmem:s30+$0xFFFFFF80] =	vst v10;
	v10 =	vand.u32 $0xFFFF0000, v3  }
0xb6: {  	v60 =	vld [tilespmem:s24+$0xFFFFFFA0];
	[tilespmem:s29+$0xFFFFFF60] =	vst v9;
	v26 =	vand.u32 $0xFFFF0000, v15;
	v63 =	vshll.u32 v18, $0x10;
	v9 =	vadd.f32 v20, v10  }
0xb7: {  	v30 =	vld [tilespmem:s24+$0x50];
	v6 =	vadd.f32 v26, v6;
	v58 =	vand.u32 $0xFFFF0000, v57;
	v10 =	vand.u32 $0xFFFF0000, v18;
	[tilespmem:s30+$0xFFFFFF00] =	vst v13  }
0xb8: {  	v21 =	vshll.u32 v57, $0x10;
	v1 =	vadd.f32 v58, v10;
	v10 =	vand.u32 $0xFFFF0000, v17;
	[tilespmem:s30+$0x10] =	vst v9;
	v9 =	vld [tilespmem:s24+$0xFFFFFFE0]  }
0xb9: {  	v7 =	vld [tilespmem:s24+$0x10];
	v33 =	vand.u32 $0xFFFF0000, v25;
	v34 =	vand.u32 $0xFFFF0000, v27;
	[tilespmem:s30+$0xFFFFFF10] =	vst v6;
	v10 =	vadd.f32 v10, v61  }
0xba: {  	v14 =	vadd.f32 v34, v33;
	v22 =	vshll.u32 v8, $0x10;
	v23 =	vshll.u32 v11, $0x10;
	[tilespmem:s25+$0x50] =	vst v1  }
0xbb: {  	v12 =	vshll.u32 v62, $0x10;
	v39 =	vshll.u32 v25, $0x10;
	v1 =	vld [tilespmem:s28+$0xFFFFFF60];
	[tilespmem:s30+$0xFFFFFF90] =	vst v10;
	v10 =	vadd.f32 v23, v22  }
0xbc: {  	v40 =	vshll.u32 v27, $0x10;
	v24 =	vadd.f32 v21, v63;
	v29 =	vand.u32 $0xFFFF0000, v60;
	[tilespmem:s26+$0xD0] =	vst v14  }
0xbd: {  	v28 =	vld [tilespmem:s28+$0xF0];
	v45 =	vand.u32 $0xFFFF0000, v30;
	v14 =	vadd.f32 v40, v39;
	[tilespmem:s30+$0xA0] =	vst v10;
	v10 =	vand.u32 $0xFFFF0000, v9  }
0xbe: {  	v37 =	vshll.u32 v7, $0x10;
	v7 =	vand.u32 $0xFFFF0000, v7;
	[tilespmem:s25+$0x40] =	vst v24;
	v6 =	vadd.f32 v10, v29  }
0xbf: {  	v31 =	vshll.u32 v60, $0x10;
	v7 =	vadd.f32 v45, v7;
	[tilespmem:s26+$0xC0] =	vst v14;
	v9 =	vshll.u32 v9, $0x10  }
0xc0: {  	v10 =	vand.u32 $0xFFFF0000, v1;
	v9 =	vadd.f32 v9, v31;
	v1 =	vshll.u32 v1, $0x10;
	[tilespmem:s26+$0xFFFFFFD0] =	vst v6;
	v6 =	vld [tilespmem:s28+$0xFFFFFFF0]  }
0xc1: {  	v32 =	vand.u32 $0xFFFF0000, v62;
	v44 =	vld [tilespmem:s31+$0xFFFFFF10];
	[tilespmem:s26+$0x30] =	vst v7;
	v1 =	vadd.f32 v1, v12  }
0xc2: {  	v35 =	vshll.u32 v28, $0x10;
	v41 =	vld [tilespmem:s31+$0xFFFFFFD0];
	v10 =	vadd.f32 v10, v32;
	[tilespmem:s26+$0xFFFFFFC0] =	vst v9;
	v9 =	vshll.u32 v4, $0x10  }
0xc3: {  	v36 =	vand.u32 $0xFFFF0000, v28;
	v4 =	vand.u32 $0xFFFF0000, v4;
	v9 =	vadd.f32 v35, v9;
	[tilespmem:s25+$0xFFFFFF40] =	vst v1;
	v1 =	vld [tilespmem:s31+$0xFFFFFF90]  }
0xc4: {  	v38 =	vshll.u32 v30, $0x10;
	[tilespmem:s25+$0xFFFFFF50] =	vst v10;
	v10 =	vld [tilespmem:s28+$0x30];
	v4 =	vadd.f32 v36, v4  }
0xc5: {  	v12 =	vadd.f32 v38, v37;
	v43 =	vld [tilespmem:s28+$0xFFFFFF70];
	[tilespmem:s25+$0xE0] =	vst v9;
	v9 =	vand.u32 $0xFFFF0000, v2;
	v42 =	vand.u32 $0xFFFF0000, v6  }
0xc6: {  	[tilespmem:s25+$0xF0] =	vst v4;
	v2 =	vshll.u32 v2, $0x10;
	v6 =	vshll.u32 v6, $0x10;
	v4 =	vadd.f32 v42, v9;
	v9 =	vld [tilespmem:s28+$0xFFFFFF30]  }
0xc7: {  	[tilespmem:s26+$0x20] =	vst v12;
	v2 =	vadd.f32 v6, v2;
	v6 =	vand.u32 $0xFFFF0000, v8;
	v8 =	vand.u32 $0xFFFF0000, v11;
	v11 =	vld [tilespmem:s31+$0xFFFFFF50]  }
0xc8: {  	v46 =	vand.u32 $0xFFFF0000, v1;
	[tilespmem:s25+$0xFFFFFFF0] =	vst v4;
	v4 =	vadd.f32 v8, v6;
	v6 =	vld [tilespmem:s28+$0x70];
	v8 =	vand.u32 $0xFFFF0000, v41  }
0xc9: {  	[tilespmem:s25+$0xFFFFFFE0] =	vst v2;
	v2 =	vshll.u32 v3, $0x10;
	v3 =	vshll.u32 v5, $0x10;
	v5 =	vadd.f32 v8, v46  }
0xca: {  	v1 =	vshll.u32 v1, $0x10;
	v2 =	vadd.f32 v3, v2;
	v8 =	vshll.u32 v41, $0x10;
	[tilespmem:s30+$0xB0] =	vst v4;
	v4 =	vld [tilespmem:s24+$0x20]  }
0xcb: {  	v3 =	vand.u32 $0xFFFF0000, v43;
	v1 =	vadd.f32 v8, v1;
	v7 =	vand.u32 $0xFFFF0000, v9;
	[tilespmem:s30+$0xFFFFFFB0] =	vst v5;
	v5 =	vld [tilespmem:s24+$0x60]  }
0xcc: {  	v49 =	vld [tilespmem:s24+$0xFFFFFF20];
	v48 =	vshll.u32 v11, $0x10;
	[tilespmem:s30+$0x0] =	vst v2;
	v3 =	vadd.f32 v3, v7;
	v7 =	vshll.u32 v44, $0x10  }
0xcd: {  	v8 =	vshll.u32 v10, $0x10;
	[tilespmem:s30+$0xFFFFFFA0] =	vst v1;
	v1 =	vld [tilespmem:s31+$0x10];
	v2 =	vshll.u32 v6, $0x10;
	v7 =	vadd.f32 v48, v7  }
0xce: {  	v10 =	vand.u32 $0xFFFF0000, v10;
	v6 =	vand.u32 $0xFFFF0000, v6;
	[tilespmem:s25+$0xFFFFFF70] =	vst v3;
	v3 =	vld [tilespmem:s31+$0x50];
	v2 =	vadd.f32 v2, v8  }
0xcf: {  	v8 =	vshll.u32 v43, $0x10;
	v6 =	vadd.f32 v6, v10;
	v10 =	vld [tilespmem:s31+$0xFFFFFFE0];
	[tilespmem:s30+$0xFFFFFF20] =	vst v7;
	v7 =	vshll.u32 v9, $0x10  }
0xd0: {  	v9 =	vld [tilespmem:s31+$0xFFFFFFA0];
	[tilespmem:s25+$0x60] =	vst v2;
	v2 =	vand.u32 $0xFFFF0000, v4;
	v7 =	vadd.f32 v8, v7;
	v8 =	vand.u32 $0xFFFF0000, v5  }
0xd1: {  	v47 =	vld [tilespmem:s24+$0xB0];
	[tilespmem:s25+$0x70] =	vst v6;
	v4 =	vshll.u32 v4, $0x10;
	v5 =	vshll.u32 v5, $0x10;
	v2 =	vadd.f32 v8, v2  }
0xd2: {  	v6 =	vand.u32 $0xFFFF0000, v44;
	v8 =	vand.u32 $0xFFFF0000, v11;
	v11 =	vld [tilespmem:s24+$0xFFFFFF60];
	v4 =	vadd.f32 v5, v4;
	[tilespmem:s25+$0xFFFFFF60] =	vst v7  }
0xd3: {  	v5 =	vld [tilespmem:s31+$0xA0];
	v6 =	vadd.f32 v8, v6;
	[tilespmem:s26+$0x50] =	vst v2;
	v2 =	vshll.u32 v1, $0x10;
	v7 =	vshll.u32 v3, $0x10  }
0xd4: {  	v8 =	vld [tilespmem:s31+$0xE0];
	[tilespmem:s26+$0x40] =	vst v4;
	v3 =	vand.u32 $0xFFFF0000, v3;
	v1 =	vand.u32 $0xFFFF0000, v1;
	v2 =	vadd.f32 v7, v2  }
0xd5: {  	v4 =	vld [tilespmem:s24+$0xF0];
	v50 =	vand.u32 $0xFFFF0000, v10;
	v7 =	vand.u32 $0xFFFF0000, v9;
	[tilespmem:s30+$0xFFFFFF30] =	vst v6;
	v1 =	vadd.f32 v3, v1  }
0xd6: {  	v3 =	vld [tilespmem:s24+$0xFFFFFFB0];
	v6 =	vshll.u32 v9, $0x10;
	v9 =	vshll.u32 v10, $0x10;
	v7 =	vadd.f32 v50, v7;
	[tilespmem:s30+$0x20] =	vst v2  }
0xd7: {  	v51 =	vand.u32 $0xFFFF0000, v49;
	v6 =	vadd.f32 v9, v6;
	v2 =	vld [tilespmem:s24+$0xFFFFFFF0];
	v10 =	vand.u32 $0xFFFF0000, v11;
	[tilespmem:s30+$0x30] =	vst v1  }
0xd8: {  	v9 =	vshll.u32 v49, $0x10;
	v1 =	vshll.u32 v11, $0x10;
	v10 =	vadd.f32 v10, v51;
	[tilespmem:s30+$0xFFFFFFD0] =	vst v7;
	v7 =	vld [tilespmem:s31+$0x20]  }
0xd9: {  	v11 =	vand.u32 $0xFFFF0000, v5;
	v52 =	vand.u32 $0xFFFF0000, v8;
	v1 =	vadd.f32 v1, v9;
	[tilespmem:s30+$0xFFFFFFC0] =	vst v6;
	v6 =	vld [tilespmem:s31+$0x60]  }
0xda: {  	v9 =	vshll.u32 v47, $0x10;
	v53 =	vshll.u32 v4, $0x10;
	v11 =	vadd.f32 v52, v11;
	[tilespmem:s26+$0xFFFFFF50] =	vst v10;
	v10 =	vld [tilespmem:s31+$0xFFFFFF20]  }
0xdb: {  	v54 =	vand.u32 $0xFFFF0000, v47;
	v4 =	vand.u32 $0xFFFF0000, v4;
	v9 =	vadd.f32 v53, v9;
	[tilespmem:s26+$0xFFFFFF40] =	vst v1;
	v1 =	vld [tilespmem:s31+$0xFFFFFF60]  }
0xdc: {  	v55 =	vld [tilespmem:s24+$0x30];
	v5 =	vshll.u32 v5, $0x10;
	v8 =	vshll.u32 v8, $0x10;
	v4 =	vadd.f32 v4, v54;
	[tilespmem:s30+$0xD0] =	vst v11  }
0xdd: {  	v5 =	vadd.f32 v8, v5;
	v11 =	vand.u32 $0xFFFF0000, v3;
	v8 =	vld [tilespmem:s24+$0xFFFFFF70];
	v56 =	vand.u32 $0xFFFF0000, v2;
	[tilespmem:s26+$0xE0] =	vst v9  }
0xde: {  	[tilespmem:s26+$0xF0] =	vst v4;
	v9 =	vadd.f32 v56, v11;
	v11 =	vld [tilespmem:s24+$0xFFFFFF30];
	v4 =	vand.u32 $0xFFFF0000, v7;
	v57 =	vand.u32 $0xFFFF0000, v6  }
0xdf: {  	v58 =	vld [tilespmem:s24+$0x70];
	[tilespmem:s30+$0xC0] =	vst v5;
	v5 =	vshll.u32 v7, $0x10;
	v6 =	vshll.u32 v6, $0x10;
	v4 =	vadd.f32 v57, v4  }
0xe0: {  	v59 =	vld [tilespmem:s31+$0xFFFFFFB0];
	v5 =	vadd.f32 v6, v5;
	[tilespmem:s26+$0xFFFFFFF0] =	vst v9;
	v9 =	vand.u32 $0xFFFF0000, v1;
	v6 =	vand.u32 $0xFFFF0000, v10  }
0xe1: {  	v7 =	vld [tilespmem:s31+$0xB0];
	v1 =	vshll.u32 v1, $0x10;
	[tilespmem:s30+$0x50] =	vst v4;
	v4 =	vshll.u32 v10, $0x10;
	v6 =	vadd.f32 v9, v6  }
0xe2: {  	v3 =	vshll.u32 v3, $0x10;
	v2 =	vshll.u32 v2, $0x10;
	v9 =	vld [tilespmem:s31+$0xF0];
	[tilespmem:s30+$0x40] =	vst v5;
	v1 =	vadd.f32 v1, v4  }
0xe3: {  	v2 =	vadd.f32 v2, v3;
	v3 =	vand.u32 $0xFFFF0000, v8;
	v5 =	vld [tilespmem:s31+$0xFFFFFFF0];
	v4 =	vand.u32 $0xFFFF0000, v11;
	[tilespmem:s30+$0xFFFFFF50] =	vst v6  }
0xe4: {  	v10 =	vshll.u32 v55, $0x10;
	v6 =	vshll.u32 v58, $0x10;
	v3 =	vadd.f32 v3, v4;
	v4 =	vld [tilespmem:s31+$0x30];
	[tilespmem:s30+$0xFFFFFF40] =	vst v1  }
0xe5: {  	v60 =	vand.u32 $0xFFFF0000, v58;
	[tilespmem:s26+$0xFFFFFFE0] =	vst v2;
	v1 =	vand.u32 $0xFFFF0000, v55;
	v2 =	vadd.f32 v6, v10;
	v6 =	vld [tilespmem:s31+$0xFFFFFF70]  }
0xe6: {  	v8 =	vshll.u32 v8, $0x10;
	v1 =	vadd.f32 v60, v1;
	v10 =	vld [tilespmem:s31+$0xFFFFFF30];
	[tilespmem:s26+$0xFFFFFF70] =	vst v3;
	v3 =	vshll.u32 v11, $0x10  }
0xe7: {  	[tilespmem:s26+$0x60] =	vst v2;
	v11 =	vshll.u32 v9, $0x10;
	v2 =	vadd.f32 v8, v3;
	v3 =	vshll.u32 v7, $0x10;
	v8 =	vld [tilespmem:s31+$0x70]  }
0xe8: {  	[tilespmem:s26+$0x70] =	vst v1;
	v1 =	vand.u32 $0xFFFF0000, v7;
	v7 =	vand.u32 $0xFFFF0000, v9;
	v3 =	vadd.f32 v11, v3  }
0xe9: {  	v9 =	vand.u32 $0xFFFF0000, v59;
	v1 =	vadd.f32 v7, v1;
	[tilespmem:s26+$0xFFFFFF60] =	vst v2;
	v2 =	vand.u32 $0xFFFF0000, v5  }
0xea: {  	v5 =	vshll.u32 v5, $0x10;
	v2 =	vadd.f32 v2, v9;
	[tilespmem:s30+$0xE0] =	vst v3;
	v3 =	vshll.u32 v59, $0x10  }
0xeb: {  	[tilespmem:s30+$0xF0] =	vst v1;
	v1 =	vadd.f32 v5, v3;
	v3 =	vand.u32 $0xFFFF0000, v6;
	v5 =	vand.u32 $0xFFFF0000, v10  }
0xec: {  	v7 =	vshll.u32 v8, $0x10;
	[tilespmem:s30+$0xFFFFFFF0] =	vst v2;
	v2 =	vshll.u32 v4, $0x10;
	v3 =	vadd.f32 v3, v5  }
0xed: {  	v4 =	vand.u32 $0xFFFF0000, v4;
	v5 =	vand.u32 $0xFFFF0000, v8;
	[tilespmem:s30+$0xFFFFFFE0] =	vst v1;
	v1 =	vadd.f32 v7, v2  }
0xee: {  	v2 =	vshll.u32 v6, $0x10;
	v4 =	vadd.f32 v5, v4;
	[tilespmem:s30+$0xFFFFFF70] =	vst v3;
	v3 =	vshll.u32 v10, $0x10  }
0xef: {  	[tilespmem:s30+$0x60] =	vst v1;
	v1 =	vadd.f32 v2, v3  }
0xf0: {  	p1 =	seq.s32 s22, $0x7;
	s31 =	sshll.u32 s22, $0xC;
	[tilespmem:s30+$0x70] =	vst v4  }
0xf1: {  	s0 =	sshrl.u32 @!p1 s23, $0x2;
	s24 =	sadd.s32 s31, s5;
	[tilespmem:s30+$0xFFFFFF60] =	vst v1  }
0xf2: {  	[hbm4b:s24+s2] =	stream.linear.scatter [tilespmem:s16], [sflag:$0x3], $0x4000, $0x38;
	[tilespmem:$0x11000] =	vst v63  }
0xf3: {  	s1 =	sadd.s32 @!p1 $0x200, s0;
	s25 =	simm.s32 @!p1 $0x80;
	s26 =	simm.s32 @!p1 $0x1000  }
0xf4: {  	[tilespmem:s26], [sflag:$0x1] =	stream.indirect.gather @!p1 [hbm4b:s3+s25], $0x40, s1, s25, $0xb8;
	[tilespmem:$0x11000] =	vst v63  }
0xf5: {  	s0 =	sadd.s32 @!p1 $0x280, s0;
	s1 =	simm.s32 @!p1 $0x3000  }
0xf6: {  	[tilespmem:s1], [sflag:$0x1] =	stream.indirect.gather @!p1 [hbm4b:s3+s25], $0x40, s0, s25, $0xb8;
	[tilespmem:$0x11000] =	vst v63  }
0xf7: {  	_ =	swait.ge [sflag:s17], $0x2000  }
0xf8: {  	[sflag:s17] =	ssyncset.done $0x0  }
0xf9: {  	[sflag:s17] =	ssyncadd.s32 $0xFFFFE000  }
0xfa: {  	_ =	swait.ge [sflag:s17], $0x2000  }
0xfb: {  	[sflag:s17] =	ssyncset.done $0x0  }
0xfc: {  	s0 =	simm.s32 @!p0 $0x4;
	[sflag:s17] =	ssyncadd.s32 $0xFFFFE000  }
0xfd: {  	_ =	swait.ge @!p0 [sflag:s0], $0x4000  }
0xfe: {  	[sflag:s0] =	ssyncset.done @!p0 $0x0  }
0xff: {  	s25 =	simm.s32 $0x0;
	[sflag:s0] =	ssyncadd.s32 @!p0 $0xFFFFC000  }
0x100: {  	v1 =	vld [tilespmem:s25+$0x51B0]  }
0x101: {  	v2 =	vld [tilespmem:s25+$0x51F0]  }
0x102: {  	v3 =	vld [tilespmem:s25+$0x5000]  }
0x103: {  	v4 =	vld [tilespmem:s25+$0x5040]  }
0x104: {  	v5 =	vld [tilespmem:s25+$0x5010]  }
0x105: {  	v6 =	vld [tilespmem:s25+$0x5050];
	v7 =	vshll.u32 v1, $0x10  }
0x106: {  	v8 =	vld [tilespmem:s25+$0x5020];
	v9 =	vshll.u32 v2, $0x10;
	v1 =	vand.u32 $0xFFFF0000, v1;
	v2 =	vand.u32 $0xFFFF0000, v2  }
0x107: {  	v11 =	vld [tilespmem:s25+$0x5060];
	v10 =	vshll.u32 v3, $0x10;
	v3 =	vand.u32 $0xFFFF0000, v3;
	v1 =	vadd.f32 v2, v1  }
0x108: {  	v61 =	vld [tilespmem:s25+$0x5030];
	v2 =	vshll.u32 v4, $0x10;
	v4 =	vand.u32 $0xFFFF0000, v4;
	v7 =	vadd.f32 v9, v7  }
0x109: {  	v9 =	vshll.u32 v5, $0x10;
	v5 =	vand.u32 $0xFFFF0000, v5;
	v2 =	vadd.f32 v2, v10;
	v10 =	vld [tilespmem:s25+$0x5070];
	[tilespmem:s25+$0xD1F0] =	vst v1  }
0x10a: {  	v1 =	vadd.f32 v4, v3;
	v3 =	vshll.u32 v6, $0x10;
	v4 =	vand.u32 $0xFFFF0000, v6;
	v6 =	vld [tilespmem:s25+$0x5080];
	[tilespmem:s25+$0xD1E0] =	vst v7  }
0x10b: {  	v7 =	vand.u32 $0xFFFF0000, v8;
	[tilespmem:s25+$0xD000] =	vst v2;
	v2 =	vadd.f32 v3, v9;
	v3 =	vshll.u32 v8, $0x10;
	v8 =	vld [tilespmem:s25+$0x50C0]  }
0x10c: {  	v9 =	vld [tilespmem:s25+$0x5090];
	[tilespmem:s25+$0xD010] =	vst v1;
	v1 =	vadd.f32 v4, v5;
	v4 =	vshll.u32 v11, $0x10;
	v5 =	vand.u32 $0xFFFF0000, v11  }
0x10d: {  	v11 =	vld [tilespmem:s25+$0x50D0];
	[tilespmem:s25+$0xD020] =	vst v2;
	v2 =	vadd.f32 v4, v3;
	v3 =	vshll.u32 v61, $0x10;
	v4 =	vand.u32 $0xFFFF0000, v61  }
0x10e: {  	[tilespmem:s25+$0xD030] =	vst v1;
	v1 =	vadd.f32 v5, v7;
	v5 =	vshll.u32 v10, $0x10;
	v7 =	vand.u32 $0xFFFF0000, v10;
	v10 =	vld [tilespmem:s25+$0x50A0]  }
0x10f: {  	[tilespmem:s25+$0xD040] =	vst v2;
	v2 =	vadd.f32 v5, v3;
	v3 =	vshll.u32 v6, $0x10;
	v5 =	vand.u32 $0xFFFF0000, v6;
	v6 =	vld [tilespmem:s25+$0x50E0]  }
0x110: {  	[tilespmem:s25+$0xD050] =	vst v1;
	v1 =	vadd.f32 v7, v4;
	v4 =	vshll.u32 v8, $0x10;
	v7 =	vand.u32 $0xFFFF0000, v8;
	v8 =	vld [tilespmem:s25+$0x50B0]  }
0x111: {  	[tilespmem:s25+$0xD060] =	vst v2;
	v2 =	vadd.f32 v4, v3;
	v3 =	vshll.u32 v9, $0x10;
	v4 =	vand.u32 $0xFFFF0000, v9;
	v9 =	vld [tilespmem:s25+$0x50F0]  }
0x112: {  	[tilespmem:s25+$0xD070] =	vst v1;
	v1 =	vadd.f32 v7, v5;
	v5 =	vshll.u32 v11, $0x10;
	v7 =	vand.u32 $0xFFFF0000, v11;
	v11 =	vld [tilespmem:s25+$0x5100]  }
0x113: {  	[tilespmem:s25+$0xD080] =	vst v2;
	v2 =	vadd.f32 v5, v3;
	v3 =	vshll.u32 v10, $0x10;
	v5 =	vand.u32 $0xFFFF0000, v10;
	v10 =	vld [tilespmem:s25+$0x5140]  }
0x114: {  	[tilespmem:s25+$0xD090] =	vst v1;
	v1 =	vadd.f32 v7, v4;
	v4 =	vshll.u32 v6, $0x10;
	v6 =	vand.u32 $0xFFFF0000, v6;
	v7 =	vld [tilespmem:s25+$0x5110]  }
0x115: {  	[tilespmem:s25+$0xD0A0] =	vst v2;
	v2 =	vadd.f32 v4, v3;
	v3 =	vshll.u32 v8, $0x10;
	v4 =	vand.u32 $0xFFFF0000, v8;
	v8 =	vld [tilespmem:s25+$0x5150]  }
0x116: {  	[tilespmem:s25+$0xD0B0] =	vst v1;
	v1 =	vadd.f32 v6, v5;
	v5 =	vshll.u32 v9, $0x10;
	v6 =	vand.u32 $0xFFFF0000, v9;
	v9 =	vld [tilespmem:s25+$0x5120]  }
0x117: {  	[tilespmem:s25+$0xD0C0] =	vst v2;
	v2 =	vadd.f32 v5, v3;
	v3 =	vshll.u32 v11, $0x10;
	v5 =	vand.u32 $0xFFFF0000, v11;
	v11 =	vld [tilespmem:s25+$0x5160]  }
0x118: {  	[tilespmem:s25+$0xD0D0] =	vst v1;
	v1 =	vadd.f32 v6, v4;
	v4 =	vshll.u32 v10, $0x10;
	v6 =	vand.u32 $0xFFFF0000, v10;
	v10 =	vld [tilespmem:s25+$0x5130]  }
0x119: {  	v62 =	vld [tilespmem:s25+$0x5170];
	[tilespmem:s25+$0xD0E0] =	vst v2;
	v3 =	vadd.f32 v4, v3;
	v4 =	vshll.u32 v7, $0x10;
	v7 =	vand.u32 $0xFFFF0000, v7  }
0x11a: {  	v2 =	vld [tilespmem:s25+$0x5180];
	[tilespmem:s25+$0xD0F0] =	vst v1;
	v1 =	vadd.f32 v6, v5;
	v5 =	vshll.u32 v8, $0x10;
	v6 =	vand.u32 $0xFFFF0000, v8  }
0x11b: {  	[tilespmem:s25+$0xD100] =	vst v3;
	v4 =	vadd.f32 v5, v4;
	v5 =	vshll.u32 v9, $0x10;
	v9 =	vand.u32 $0xFFFF0000, v9;
	v3 =	vld [tilespmem:s25+$0x51C0]  }
0x11c: {  	v63 =	vadd.f32 v6, v7;
	[tilespmem:s25+$0xD110] =	vst v1;
	v6 =	vshll.u32 v11, $0x10;
	v11 =	vand.u32 $0xFFFF0000, v11;
	v1 =	vld [tilespmem:s25+$0x5190]  }
0x11d: {  	[tilespmem:s25+$0xD120] =	vst v4;
	v7 =	vadd.f32 v6, v5;
	v8 =	vshll.u32 v10, $0x10;
	v6 =	vand.u32 $0xFFFF0000, v10;
	v5 =	vld [tilespmem:s25+$0x51D0]  }
0x11e: {  	s1 =	simm.s32 $0x800;
	s0 =	simm.s32 $0x0;
	[tilespmem:s25+$0xD130] =	vst v63;
	v9 =	vadd.f32 v11, v9;
	v11 =	vshll.u32 v62, $0x10;
	v10 =	vand.u32 $0xFFFF0000, v62;
	v4 =	vld [tilespmem:s25+$0x51A0]  }
.LBB2_7:
0x11f: {  	s26 =	sshra.s32 s1, $0x2;
	[tilespmem:s25+$0xD140] =	vst v7;
	v7 =	vadd.f32 v11, v8;
	v8 =	vshll.u32 v2, $0x10;
	v2 =	vand.u32 $0xFFFF0000, v2;
	v11 =	vld [tilespmem:s25+$0x51E0]  }
0x120: {  	s0 =	sadd.s32 $0x4, s0;
	v6 =	vadd.f32 v10, v6;
	v12 =	vld [tilespmem:s26+$0x51B0];
	[tilespmem:s25+$0xD150] =	vst v9;
	v9 =	vshll.u32 v3, $0x10;
	v3 =	vand.u32 $0xFFFF0000, v3  }
0x121: {  	p0 =	slt.u32 s0, $0x7C;
	v10 =	vld [tilespmem:s26+$0x51F0];
	[tilespmem:s25+$0xD160] =	vst v7;
	v7 =	vadd.f32 v9, v8;
	v8 =	vshll.u32 v1, $0x10;
	v1 =	vand.u32 $0xFFFF0000, v1  }
0x122: {  	v2 =	vadd.f32 v3, v2;
	v9 =	vld [tilespmem:s26+$0x5000];
	[tilespmem:s25+$0xD170] =	vst v6;
	v3 =	vshll.u32 v5, $0x10;
	v5 =	vand.u32 $0xFFFF0000, v5  }
0x123: {  	v6 =	vld [tilespmem:s26+$0x5040];
	[tilespmem:s25+$0xD180] =	vst v7;
	v3 =	vadd.f32 v3, v8;
	v7 =	vshll.u32 v4, $0x10;
	v4 =	vand.u32 $0xFFFF0000, v4  }
0x124: {  	v1 =	vadd.f32 v5, v1;
	v8 =	vld [tilespmem:s26+$0x5010];
	[tilespmem:s25+$0xD190] =	vst v2;
	v2 =	vshll.u32 v11, $0x10;
	v5 =	vand.u32 $0xFFFF0000, v11  }
0x125: {  	v11 =	vld [tilespmem:s26+$0x5050];
	v13 =	vshll.u32 v12, $0x10;
	[tilespmem:s25+$0xD1A0] =	vst v3;
	v2 =	vadd.f32 v2, v7;
	v3 =	vadd.f32 v5, v4  }
0x126: {  	v7 =	vand.u32 $0xFFFF0000, v12;
	v4 =	vld [tilespmem:s26+$0x5020];
	v5 =	vshll.u32 v10, $0x10;
	v10 =	vand.u32 $0xFFFF0000, v10;
	[tilespmem:s25+$0xD1B0] =	vst v1  }
0x127: {  	v1 =	vshll.u32 v9, $0x10;
	v9 =	vand.u32 $0xFFFF0000, v9;
	v12 =	vld [tilespmem:s26+$0x5060];
	v7 =	vadd.f32 v10, v7;
	[tilespmem:s25+$0xD1C0] =	vst v2  }
0x128: {  	v5 =	vadd.f32 v5, v13;
	v2 =	vshll.u32 v6, $0x10;
	v6 =	vand.u32 $0xFFFF0000, v6;
	v10 =	vld [tilespmem:s26+$0x5030];
	[tilespmem:s25+$0xD1D0] =	vst v3;
	s25 =	smov.u32 s26  }
0x129: {  	v1 =	vadd.f32 v2, v1;
	v2 =	vshll.u32 v8, $0x10;
	v3 =	vand.u32 $0xFFFF0000, v8;
	v8 =	vld [tilespmem:s25+$0x5070];
	[tilespmem:s25+$0xD1F0] =	vst v7  }
0x12a: {  	v6 =	vadd.f32 v6, v9;
	v7 =	vshll.u32 v11, $0x10;
	v9 =	vand.u32 $0xFFFF0000, v11;
	v11 =	vld [tilespmem:s25+$0x5080];
	[tilespmem:s25+$0xD1E0] =	vst v5  }
0x12b: {  	[tilespmem:s25+$0xD000] =	vst v1;
	v1 =	vadd.f32 v7, v2;
	v2 =	vshll.u32 v4, $0x10;
	v4 =	vand.u32 $0xFFFF0000, v4;
	v5 =	vld [tilespmem:s25+$0x50C0]  }
0x12c: {  	v3 =	vadd.f32 v9, v3;
	[tilespmem:s25+$0xD010] =	vst v6;
	v6 =	vshll.u32 v12, $0x10;
	v7 =	vand.u32 $0xFFFF0000, v12;
	v9 =	vld [tilespmem:s25+$0x5090]  }
0x12d: {  	[tilespmem:s25+$0xD020] =	vst v1;
	v1 =	vadd.f32 v6, v2;
	v2 =	vshll.u32 v10, $0x10;
	v6 =	vand.u32 $0xFFFF0000, v10;
	v10 =	vld [tilespmem:s25+$0x50D0]  }
0x12e: {  	[tilespmem:s25+$0xD030] =	vst v3;
	v3 =	vadd.f32 v7, v4;
	v4 =	vshll.u32 v8, $0x10;
	v7 =	vand.u32 $0xFFFF0000, v8;
	v8 =	vld [tilespmem:s25+$0x50A0]  }
0x12f: {  	[tilespmem:s25+$0xD040] =	vst v1;
	v1 =	vadd.f32 v4, v2;
	v2 =	vshll.u32 v11, $0x10;
	v4 =	vand.u32 $0xFFFF0000, v11;
	v11 =	vld [tilespmem:s25+$0x50E0]  }
0x130: {  	[tilespmem:s25+$0xD050] =	vst v3;
	v3 =	vadd.f32 v7, v6;
	v6 =	vshll.u32 v5, $0x10;
	v5 =	vand.u32 $0xFFFF0000, v5;
	v7 =	vld [tilespmem:s25+$0x50B0]  }
0x131: {  	[tilespmem:s25+$0xD060] =	vst v1;
	v1 =	vadd.f32 v6, v2;
	v2 =	vshll.u32 v9, $0x10;
	v6 =	vand.u32 $0xFFFF0000, v9;
	v9 =	vld [tilespmem:s25+$0x50F0]  }
0x132: {  	[tilespmem:s25+$0xD070] =	vst v3;
	v3 =	vadd.f32 v5, v4;
	v4 =	vshll.u32 v10, $0x10;
	v5 =	vand.u32 $0xFFFF0000, v10;
	v10 =	vld [tilespmem:s25+$0x5100]  }
0x133: {  	[tilespmem:s25+$0xD080] =	vst v1;
	v1 =	vadd.f32 v4, v2;
	v2 =	vshll.u32 v8, $0x10;
	v4 =	vand.u32 $0xFFFF0000, v8;
	v8 =	vld [tilespmem:s25+$0x5140]  }
0x134: {  	[tilespmem:s25+$0xD090] =	vst v3;
	v3 =	vadd.f32 v5, v6;
	v5 =	vshll.u32 v11, $0x10;
	v6 =	vand.u32 $0xFFFF0000, v11;
	v11 =	vld [tilespmem:s25+$0x5110]  }
0x135: {  	[tilespmem:s25+$0xD0A0] =	vst v1;
	v1 =	vadd.f32 v5, v2;
	v2 =	vshll.u32 v7, $0x10;
	v5 =	vand.u32 $0xFFFF0000, v7;
	v7 =	vld [tilespmem:s25+$0x5150]  }
0x136: {  	[tilespmem:s25+$0xD0B0] =	vst v3;
	v3 =	vadd.f32 v6, v4;
	v4 =	vshll.u32 v9, $0x10;
	v6 =	vand.u32 $0xFFFF0000, v9;
	v9 =	vld [tilespmem:s25+$0x5120]  }
0x137: {  	[tilespmem:s25+$0xD0C0] =	vst v1;
	v1 =	vadd.f32 v4, v2;
	v2 =	vshll.u32 v10, $0x10;
	v4 =	vand.u32 $0xFFFF0000, v10;
	v10 =	vld [tilespmem:s25+$0x5160]  }
0x138: {  	[tilespmem:s25+$0xD0D0] =	vst v3;
	v3 =	vadd.f32 v6, v5;
	v5 =	vshll.u32 v8, $0x10;
	v6 =	vand.u32 $0xFFFF0000, v8;
	v12 =	vld [tilespmem:s25+$0x5130]  }
0x139: {  	[tilespmem:s25+$0xD0E0] =	vst v1;
	v1 =	vadd.f32 v5, v2;
	v5 =	vshll.u32 v11, $0x10;
	v8 =	vand.u32 $0xFFFF0000, v11;
	v13 =	vld [tilespmem:s25+$0x5170]  }
.Ltmp4:
0x13a: {  	v4 =	vadd.f32 v6, v4;
	[tilespmem:s25+$0xD0F0] =	vst v3;
	v3 =	vshll.u32 v7, $0x10;
	v6 =	vand.u32 $0xFFFF0000, v7;
	v2 =	vld [tilespmem:s25+$0x5180];
	(pc) =	sbr.rel @p0 .LBB2_7-.Ltmp4, $4  }
0x13b: {  	[tilespmem:s25+$0xD100] =	vst v1;
	v5 =	vadd.f32 v3, v5;
	v7 =	vshll.u32 v9, $0x10;
	v9 =	vand.u32 $0xFFFF0000, v9;
	v3 =	vld [tilespmem:s25+$0x51C0]  }
0x13c: {  	[tilespmem:s25+$0xD110] =	vst v4;
	v4 =	vadd.f32 v6, v8;
	v6 =	vshll.u32 v10, $0x10;
	v10 =	vand.u32 $0xFFFF0000, v10;
	v1 =	vld [tilespmem:s25+$0x5190]  }
0x13d: {  	[tilespmem:s25+$0xD120] =	vst v5;
	v7 =	vadd.f32 v6, v7;
	v8 =	vshll.u32 v12, $0x10;
	v6 =	vand.u32 $0xFFFF0000, v12;
	v5 =	vld [tilespmem:s25+$0x51D0]  }
0x13e: {  	s1 =	sadd.s32 $0x800, s1;
	v9 =	vadd.f32 v10, v9;
	[tilespmem:s25+$0xD130] =	vst v4;
	v11 =	vshll.u32 v13, $0x10;
	v10 =	vand.u32 $0xFFFF0000, v13;
	v4 =	vld [tilespmem:s25+$0x51A0]  }
0x13f: {  	[tilespmem:s25+$0xD140] =	vst v7;
	v54 =	vadd.f32 v11, v8;
	v55 =	vld [tilespmem:s25+$0x51E0]  }
0x140: {  	v56 =	vshll.u32 v2, $0x10;
	v6 =	vadd.f32 v10, v6;
	[tilespmem:s25+$0xD150] =	vst v9;
	v57 =	vshll.u32 v3, $0x10  }
0x141: {  	v2 =	vand.u32 $0xFFFF0000, v2;
	v3 =	vand.u32 $0xFFFF0000, v3;
	[tilespmem:s25+$0xD160] =	vst v54;
	v58 =	vadd.f32 v57, v56  }
0x142: {  	v59 =	vshll.u32 v1, $0x10;
	[tilespmem:s25+$0xD170] =	vst v6;
	v2 =	vadd.f32 v3, v2;
	v3 =	vshll.u32 v5, $0x10  }
0x143: {  	v1 =	vand.u32 $0xFFFF0000, v1;
	v60 =	vand.u32 $0xFFFF0000, v5;
	[tilespmem:s25+$0xD180] =	vst v58;
	v3 =	vadd.f32 v3, v59  }
0x144: {  	v61 =	vshll.u32 v4, $0x10;
	[tilespmem:s25+$0xD190] =	vst v2;
	v1 =	vadd.f32 v60, v1;
	v2 =	vshll.u32 v55, $0x10  }
.Ltmp5:
0x145: {  	v62 =	vand.u32 $0xFFFF0000, v4;
	v63 =	vand.u32 $0xFFFF0000, v55;
	[tilespmem:s25+$0xD1A0] =	vst v3;
	v2 =	vadd.f32 v2, v61;
	(pc) =	sbr.rel @p1 .LBB2_10-.Ltmp5, $4  }
0x146: {  	v3 =	vadd.f32 v63, v62;
	[tilespmem:s25+$0xD1B0] =	vst v1  }
0x147: {  	[tilespmem:s25+$0xD1C0] =	vst v2  }
0x148: {  	s0 =	sadd.s32 $0x800, s24;
	[tilespmem:s25+$0xD1D0] =	vst v3  }
0x149: {  	[hbm4b:s0+s2] =	stream.linear.scatter [tilespmem:s18], [sflag:$0x4], $0x4000, $0x38;
	[tilespmem:$0x11000] =	vst v63  }
.Ltmp6:
0x14a: {  	s0 =	sshrl.u32 s23, $0x2;
	(pc) =	sbr.rel .LBB2_4-.Ltmp6, $4  }
0x14b: {  	s1 =	sadd.s32 $0x300, s0  }
0x14c: {  	[tilespmem:s12], [sflag:$0x2] =	stream.indirect.gather [hbm4b:s3+s8], $0x40, s1, s8, $0xb8;
	[tilespmem:$0x11000] =	vst v63  }
0x14d: {  	s22 =	sadd.s32 $0x1, s22;
	s0 =	sadd.s32 $0x380, s0  }
0x14e: {  	[tilespmem:s14], [sflag:$0x2] =	stream.indirect.gather [hbm4b:s3+s8], $0x40, s0, s8, $0xb8;
	[tilespmem:$0x11000] =	vst v63  }
.LBB2_11:
0x14f: {  	_ =	sfence.sel $0x180000  }
0x150: {  	[bflag:$0x0] =	sbarrier.arrive $0xFFFF  }
0x151: {  	_ =	strace $0x90000047  }
0x152: {  	s0 =	stileid.u32;
	[bflag:$0x2] =	sbarrier.arrive $0xFFFF  }
0x153: {  	p0 =	sne.s32 s0, $0x0;
	s0 =	rddreg [dreg:$0x2]  }
0x154: {  	s0 =	sadd.s32 @!p0 $0x100000, s0  }
0x155: {  	[sflag:s0] =	ssyncadd.tile.s32 @!p0 $0x1;
	_ =	shalt  }
.Lfunc_end2:
_tile_overlayer_lowered:
.L_overlay_start_2:
0x156: {  	(tag) =	ssettag $0x2  }
0x157: {  	s0 =	rddreg [dreg:$0x0];
	s2 =	stileid.u32  }
0x158: {  	s1 =	rddreg [dreg:$0x1];
	p0 =	sne.s32 s2, $0x0  }
0x159: {  	s3 =	rddreg [dreg:$0x2];
	[bflag:$0x3] =	sbarrier.arrive $0xFFFF;
	s2 =	simm.s32 @!p0 $0x1C05  }
0x15a: {  	[timem:s3], [sflag:s2] =	dma.local @!p0 [hbm:s0], s1  }
0x15b: {  	s0 =	simm.s32 @!p0 $0x5  }
0x15c: {  	_ =	swait.ge @!p0 [sflag:s0], s1  }
0x15d: {  	s1 =	ssub.s32 @!p0 $0x0, s1;
	[sflag:s0] =	ssyncset.done @!p0 $0x0  }
0x15e: {  	[sflag:s0] =	ssyncadd.s32 @!p0 s1  }
0x15f: {  	[bflag:$0x3] =	sbarrier.arrive $0xFFFF  }
0x160: {  	_ =	shalt  }

</sc_bundles>
